<compile_context>
chip_gen: v7x
topology: tpu7x:2x2x1
jax: 0.10.2.dev20260603
libtpu: 0.0.44.dev20260713+nightly
codegen_flags: <defaults>
</compile_context>

<pallas_src>
import functools

import jax
import jax.numpy as jnp
from jax import lax
from jax.experimental import pallas as pl
from jax.experimental.pallas import tpu as pltpu
from jax.experimental.pallas import tpu_sc as plsc

B, S, D, E, H = 128, 32, 1024, 8, 4096
TR = 16
SROWS = 256
FBLK = 2048
NF = H // FBLK


def _gather_mean_sc(tokens_flat, emb_table):
    info = plsc.get_sparse_core_info()
    nc, ns = info.num_cores, info.num_subcores
    nw = nc * ns
    rows_per_w = B // nw
    mesh = plsc.VectorSubcoreMesh(core_axis_name="c", subcore_axis_name="s")

    @functools.partial(
        pl.kernel,
        mesh=mesh,
        out_type=jax.ShapeDtypeStruct((B, D), jnp.float32),
        scratch_types=[
            pltpu.VMEM((rows_per_w * S,), jnp.int32),
            pltpu.VMEM((2, S, D), jnp.float32),
            pltpu.VMEM((rows_per_w, D), jnp.float32),
            pltpu.SemaphoreType.DMA,
            pltpu.SemaphoreType.DMA,
        ],
    )
    def k(tok_hbm, tab_hbm, out_hbm, idx_v, bufs, acc_v, sem0, sem1):
        wid = lax.axis_index("s") * nc + lax.axis_index("c")
        b0 = wid * rows_per_w
        pltpu.sync_copy(tok_hbm.at[pl.ds(b0 * S, rows_per_w * S)], idx_v)
        sems = (sem0, sem1)

        def start(r):
            pltpu.async_copy(tab_hbm.at[idx_v.at[pl.ds(r * S, S)]],
                             bufs.at[r % 2], sems[r % 2])

        def reduce_row(r):
            pltpu.make_async_copy(tab_hbm.at[idx_v.at[pl.ds(r * S, S)]],
                                  bufs.at[r % 2], sems[r % 2]).wait()

            def cbody(c, _):
                sl = pl.ds(c * 16, 16)
                vals = [bufs[r % 2, t, sl] for t in range(S)]
                while len(vals) > 1:
                    vals = [vals[i] + vals[i + 1]
                            for i in range(0, len(vals), 2)]
                acc_v[r, sl] = vals[0] * (1.0 / S)
                return 0

            lax.fori_loop(0, D // 16, cbody, 0)

        start(0)
        start(1)
        for r in range(rows_per_w):
            reduce_row(r)
            if r + 2 < rows_per_w:
                start(r + 2)
        pltpu.sync_copy(acc_v, out_hbm.at[pl.ds(b0, rows_per_w)])

    return k(tokens_flat, emb_table)


def _router_body(x_ref, a_ref, scores_ref, winner_ref, oh_ref, pos_ref,
                 nt_ref, st_ref, sx_ref):
    x = x_ref[:]
    sc = lax.dot_general(x, a_ref[:], (((1,), (1,)), ((), ())),
                         preferred_element_type=jnp.float32)
    scores_ref[:] = sc
    m = jnp.max(sc, axis=1, keepdims=True)
    ii = lax.broadcasted_iota(jnp.int32, (B, E), 1).astype(jnp.float32)
    wf = jnp.min(jnp.where(sc >= m, ii, float(E)), axis=1, keepdims=True)
    winner_ref[:] = wf.astype(jnp.int32)
    oh = (ii == wf).astype(jnp.float32)
    oh_ref[:] = oh
    counts = jnp.sum(oh, axis=0, keepdims=True)
    nt = jnp.floor((counts + (TR - 1.0)) * (1.0 / TR))
    padded = nt * TR
    tri = (lax.broadcasted_iota(jnp.int32, (E, E), 0)
           < lax.broadcasted_iota(jnp.int32, (E, E), 1)).astype(jnp.float32)
    starts = lax.dot_general(padded, tri, (((1,), (0,)), ((), ())),
                             preferred_element_type=jnp.float32)
    ltri = (lax.broadcasted_iota(jnp.int32, (B, B), 0)
            >= lax.broadcasted_iota(jnp.int32, (B, B), 1)).astype(jnp.float32)
    cum = lax.dot_general(ltri, oh, (((1,), (0,)), ((), ())),
                          preferred_element_type=jnp.float32)
    rank = jnp.sum(cum * oh, axis=1, keepdims=True) - 1.0
    srow = lax.dot_general(oh, starts, (((1,), (1,)), ((), ())),
                           preferred_element_type=jnp.float32)
    pos = srow + rank
    pos_ref[:] = pos
    nt_ref[:] = nt.astype(jnp.int32)
    st_ref[:] = starts.astype(jnp.int32)
    pt = (pos == lax.broadcasted_iota(jnp.int32, (B, SROWS), 1
          ).astype(jnp.float32)).astype(jnp.float32)
    sx = lax.dot_general(pt, x, (((0,), (0,)), ((), ())),
                         preferred_element_type=jnp.float32)
    sx_ref[:] = sx.astype(jnp.bfloat16)


def _router_tc(x, attractor):
    return pl.pallas_call(
        _router_body,
        out_shape=[
            jax.ShapeDtypeStruct((B, E), jnp.float32),
            jax.ShapeDtypeStruct((B, 1), jnp.int32),
            jax.ShapeDtypeStruct((B, E), jnp.float32),
            jax.ShapeDtypeStruct((B, 1), jnp.float32),
            jax.ShapeDtypeStruct((1, E), jnp.int32),
            jax.ShapeDtypeStruct((1, E), jnp.int32),
            jax.ShapeDtypeStruct((SROWS, D), jnp.bfloat16),
        ],
    )(x, attractor)


def _ffn_body(nt_ref, st_ref, sx_ref, w1_ref, b1_ref, w2_ref, b2_ref,
              con_ref, oh_ref, pos_ref, out_ref, acc_ref):
    e = pl.program_id(0)
    f = pl.program_id(1)

    @pl.when((e == 0) & (f == 0))
    def _():
        acc_ref[:] = jnp.zeros((SROWS, D), jnp.float32)

    nt = nt_ref[0, e]
    st = st_ref[0, e]

    @pl.when(nt > 0)
    def _():
        b1 = b1_ref[0]

        def tbody(t, _):
            r0 = pl.multiple_of(st + t * TR, TR)
            xs = sx_ref[pl.ds(r0, TR), :].astype(jnp.float32)
            h = jnp.maximum(
                lax.dot_general(xs, w1_ref[0], (((1,), (0,)), ((), ())),
                                preferred_element_type=jnp.float32) + b1, 0.0)
            ct = lax.dot_general(h, w2_ref[0], (((1,), (0,)), ((), ())),
                                 preferred_element_type=jnp.float32)
            acc_ref[pl.ds(r0, TR), :] += ct
            return 0

        lax.fori_loop(0, nt, tbody, 0)

    @pl.when((e == E - 1) & (f == NF - 1))
    def _():
        pos = pos_ref[:]
        pt = (pos == lax.broadcasted_iota(jnp.int32, (B, SROWS), 1
              ).astype(jnp.float32)).astype(jnp.float32)
        outv = lax.dot_general(pt, acc_ref[:], (((1,), (0,)), ((), ())),
                               preferred_element_type=jnp.float32)
        oh = oh_ref[:]
        b2row = lax.dot_general(oh, b2_ref[:], (((1,), (0,)), ((), ())),
                                preferred_element_type=jnp.float32)
        cg = lax.dot_general(oh, con_ref[:], (((1,), (0,)), ((), ())),
                             preferred_element_type=jnp.float32)
        out_ref[:] = (outv + b2row) * cg


def _ffn_tc(nt, st, sx, W1, b1, W2, b2, con2d, oh, pos):
    grid = (E, NF)
    return pl.pallas_call(
        _ffn_body,
        grid=grid,
        in_specs=[
            pl.BlockSpec(memory_space=pltpu.SMEM),
            pl.BlockSpec(memory_space=pltpu.SMEM),
            pl.BlockSpec((SROWS, D), lambda e, f: (0, 0)),
            pl.BlockSpec((1, D, FBLK), lambda e, f: (e, 0, f)),
            pl.BlockSpec((1, 1, FBLK), lambda e, f: (e, 0, f)),
            pl.BlockSpec((1, FBLK, D), lambda e, f: (e, f, 0)),
            pl.BlockSpec((E, D), lambda e, f: (0, 0)),
            pl.BlockSpec((E, 1), lambda e, f: (0, 0)),
            pl.BlockSpec((B, E), lambda e, f: (0, 0)),
            pl.BlockSpec((B, 1), lambda e, f: (0, 0)),
        ],
        out_specs=pl.BlockSpec((B, D), lambda e, f: (0, 0)),
        out_shape=jax.ShapeDtypeStruct((B, D), jnp.float32),
        scratch_shapes=[pltpu.VMEM((SROWS, D), jnp.float32)],
        compiler_params=pltpu.CompilerParams(
            dimension_semantics=("arbitrary", "arbitrary"),
            vmem_limit_bytes=110 * 1024 * 1024),
    )(nt, st, sx, W1, b1, W2, b2, con2d, oh, pos)


def kernel(tokens, emb_table, attractor, W1, b1, W2, b2, conatus):
    tokens_flat = tokens.reshape(B * S).astype(jnp.int32)
    emb_mean = _gather_mean_sc(tokens_flat, emb_table)
    scores, winner, oh, pos, nt, st, sx = _router_tc(emb_mean, attractor)
    out = _ffn_tc(nt, st, sx, W1, b1.reshape(E, 1, H), W2, b2,
                  conatus.reshape(E, 1), oh, pos)
    return out, scores, winner.reshape(B)

# --- scband reference (transcript-rebuilt; emitter-appended) ---
"""Pipeline reference for scband-agicore-29154238005895 (READ-ONLY COPY).

The authoritative reference and input builder live on the scoring server;
editing this copy changes nothing except your own understanding.
"""

import jax, jax.numpy as jnp
import numpy as np

VOCAB = 100000
D_MODEL = 1024
NUM_EXPERTS = 8
BATCH = 128
SEQ = 32


def setup_inputs(seed: int = 0) -> dict:
    key = jax.random.key(seed)
    ks = jax.random.split(key, 8)
    tokens = jax.random.randint(ks[0], (BATCH, SEQ), 0, VOCAB)
    emb_table = jax.random.normal(ks[1], (VOCAB, D_MODEL), dtype=jnp.float32) * 0.02
    attractor = jax.random.normal(ks[2], (NUM_EXPERTS, D_MODEL), dtype=jnp.float32)
    W1 = jax.random.normal(ks[3], (NUM_EXPERTS, D_MODEL, 4 * D_MODEL), dtype=jnp.float32) * (1.0 / np.sqrt(D_MODEL))
    b1 = jnp.zeros((NUM_EXPERTS, 4 * D_MODEL), dtype=jnp.float32)
    W2 = jax.random.normal(ks[4], (NUM_EXPERTS, 4 * D_MODEL, D_MODEL), dtype=jnp.float32) * (1.0 / np.sqrt(4 * D_MODEL))
    b2 = jnp.zeros((NUM_EXPERTS, D_MODEL), dtype=jnp.float32)
    conatus = jnp.ones((NUM_EXPERTS,), dtype=jnp.float32)
    return {"tokens": tokens, "emb_table": emb_table, "attractor": attractor,
            "W1": W1, "b1": b1, "W2": W2, "b2": b2, "conatus": conatus}


def reference(tokens, emb_table, attractor, W1, b1, W2, b2, conatus):
    # embedding lookup (gather) -> mean pool over sequence, per query
    emb = jnp.take(emb_table, tokens, axis=0)            # [B, S, D]
    emb_mean = emb.mean(axis=1)                          # [B, D]
    # StrangeAttractor routing: scores = x @ attractor_field.T
    scores = emb_mean @ attractor.T                      # [B, E]
    winner = jnp.argmax(scores, axis=-1)                 # [B] hard top-1 routing
    # Expert FFN: Linear(d, 4d) -> ReLU -> Linear(4d, d), scaled by conatus
    # evaluate all experts densely, then select winner per row (faithful math)
    h = jax.nn.relu(jnp.einsum('bd,edf->bef', emb_mean, W1) + b1[None, :, :])   # [B, E, 4D]
    out_all = jnp.einsum('bef,efd->bed', h, W2) + b2[None, :, :]                # [B, E, D]
    out_all = out_all * conatus[None, :, None]
    sel = jax.nn.one_hot(winner, NUM_EXPERTS, dtype=out_all.dtype)              # [B, E]
    expert_output = jnp.einsum('bed,be->bd', out_all, sel)                      # [B, D]
    return expert_output, scores, winner

if __name__ == "__main__":
    import jax
    _d = setup_inputs()
    print(jax.jit(kernel)(*tuple(_d.values())))

</pallas_src>

<mosaic_0001>
#map = affine_map<(d0, d1) -> (0)>
#map1 = affine_map<(d0, d1) -> (0, 0)>
module attributes {stable_mosaic.version = 14 : i64} {
  func.func @k(%arg0: i32, %arg1: i32, %arg2: memref<4096xi32, #tpu.memory_space<hbm>>, %arg3: memref<100000x1024xf32, #tpu.memory_space<hbm>>, %arg4: memref<128x1024xf32, #tpu.memory_space<hbm>>, %arg5: memref<128xi32, #tpu.memory_space<vmem>>, %arg6: memref<2x32x1024xf32, #tpu.memory_space<vmem>>, %arg7: memref<4x1024xf32, #tpu.memory_space<vmem>>, %arg8: memref<!tpu.dma_semaphore, #tpu.memory_space<semaphore_mem>>, %arg9: memref<!tpu.dma_semaphore, #tpu.memory_space<semaphore_mem>>) attributes {dimension_semantics = [#tpu.dimension_semantics<core_parallel>, #tpu.dimension_semantics<subcore_parallel>], iteration_bounds = array<i64: 2, 16>, scalar_prefetch = 0 : i64, scratch_operands = 5 : i64, tpu.core_type = #tpu.core_type<sc_vector_subcore>, window_params = [{transform_indices = #map}, {transform_indices = #map1}, {transform_indices = #map1}]} {
    %mul3A = arith.constant 2 : i32
    %mul3A_0 = arith.muli %arg1, %mul3A : i32
    %add3A = arith.addi %mul3A_0, %arg0 : i32
    %mul3A_1 = arith.constant 4 : i32
    %mul3A_2 = arith.muli %add3A, %mul3A_1 : i32
    %mul3A_3 = arith.constant 32 : i32
    %mul3A_4 = arith.muli %mul3A_2, %mul3A_3 : i32
    "tpu.region"() ({
      %run_scoped3A = tpu.sem_alloc : memref<!tpu.dma_semaphore, #tpu.memory_space<semaphore_mem>>
      %dma_start3A_110 = tpu.memref_slice %arg2[%mul3A_4] : memref<4096xi32, #tpu.memory_space<hbm>> -> memref<128xi32, #tpu.memory_space<hbm>>
      %dma_start3A_111 = tpu.memref_slice %arg2[%mul3A_4] : memref<4096xi32, #tpu.memory_space<hbm>> -> memref<128xi32, #tpu.memory_space<hbm>>
      tpu.enqueue_dma source(%dma_start3A_111 : memref<128xi32, #tpu.memory_space<hbm>>) target(%arg5 : memref<128xi32, #tpu.memory_space<vmem>>) target_semaphore(%run_scoped3A : memref<!tpu.dma_semaphore, #tpu.memory_space<semaphore_mem>>)
      %dma_wait3A_112 = tpu.memref_slice %arg2[%mul3A_4] : memref<4096xi32, #tpu.memory_space<hbm>> -> memref<128xi32, #tpu.memory_space<hbm>>
      %dma_wait3A_113 = tpu.memref_slice %arg2[%mul3A_4] : memref<4096xi32, #tpu.memory_space<hbm>> -> memref<128xi32, #tpu.memory_space<hbm>>
      tpu.wait_dma2 semaphore(%run_scoped3A : memref<!tpu.dma_semaphore, #tpu.memory_space<semaphore_mem>>) src(%dma_wait3A_113 : memref<128xi32, #tpu.memory_space<hbm>>) dst(%arg5 : memref<128xi32, #tpu.memory_space<vmem>>)
      tpu.yield
    }) : () -> ()
    %dma_start3A = arith.constant 0 : i32
    %dma_start3A_5 = arith.constant 0 : i32
    %dma_start3A_6 = arith.constant 0 : i32
    %dma_start3A_7 = tpu.memref_slice %arg6[%dma_start3A, %dma_start3A_5, %dma_start3A_6] : memref<2x32x1024xf32, #tpu.memory_space<vmem>> -> memref<1x32x1024xf32, #tpu.memory_space<vmem>>
    %dma_start3A_8 = tpu.memref_squeeze %dma_start3A_7 : memref<1x32x1024xf32, #tpu.memory_space<vmem>> -> memref<32x1024xf32, #tpu.memory_space<vmem>>
    %dma_start3A_9 = arith.constant 0 : i32
    %dma_start3A_10 = tpu.memref_slice %arg5[%dma_start3A_9] : memref<128xi32, #tpu.memory_space<vmem>> -> memref<32xi32, #tpu.memory_space<vmem>>
    %dma_start3A_11 = arith.constant 0 : i32
    %dma_start3A_12 = arith.constant 0 : i32
    %dma_start3A_13 = tpu.memref_slice %arg3[%dma_start3A_11, %dma_start3A_12] : memref<100000x1024xf32, #tpu.memory_space<hbm>> -> memref<100000x1024xf32, #tpu.memory_space<hbm>>
    tpu.enqueue_indirect_dma source(%dma_start3A_13 : memref<100000x1024xf32, #tpu.memory_space<hbm>>) target(%dma_start3A_8 : memref<32x1024xf32, #tpu.memory_space<vmem>>) offsets(%dma_start3A_10 : memref<32xi32, #tpu.memory_space<vmem>>) semaphore(%arg8 : memref<!tpu.dma_semaphore, #tpu.memory_space<semaphore_mem>>)
    %dma_start3A_14 = arith.constant 1 : i32
    %dma_start3A_15 = arith.constant 0 : i32
    %dma_start3A_16 = arith.constant 0 : i32
    %dma_start3A_17 = tpu.memref_slice %arg6[%dma_start3A_14, %dma_start3A_15, %dma_start3A_16] : memref<2x32x1024xf32, #tpu.memory_space<vmem>> -> memref<1x32x1024xf32, #tpu.memory_space<vmem>>
    %dma_start3A_18 = tpu.memref_squeeze %dma_start3A_17 : memref<1x32x1024xf32, #tpu.memory_space<vmem>> -> memref<32x1024xf32, #tpu.memory_space<vmem>>
    %dma_start3A_19 = arith.constant 32 : i32
    %dma_start3A_20 = tpu.memref_slice %arg5[%dma_start3A_19] : memref<128xi32, #tpu.memory_space<vmem>> -> memref<32xi32, #tpu.memory_space<vmem>>
    %dma_start3A_21 = arith.constant 0 : i32
    %dma_start3A_22 = arith.constant 0 : i32
    %dma_start3A_23 = tpu.memref_slice %arg3[%dma_start3A_21, %dma_start3A_22] : memref<100000x1024xf32, #tpu.memory_space<hbm>> -> memref<100000x1024xf32, #tpu.memory_space<hbm>>
    tpu.enqueue_indirect_dma source(%dma_start3A_23 : memref<100000x1024xf32, #tpu.memory_space<hbm>>) target(%dma_start3A_18 : memref<32x1024xf32, #tpu.memory_space<vmem>>) offsets(%dma_start3A_20 : memref<32xi32, #tpu.memory_space<vmem>>) semaphore(%arg9 : memref<!tpu.dma_semaphore, #tpu.memory_space<semaphore_mem>>)
    %dma_wait3A = arith.constant 0 : i32
    %dma_wait3A_24 = arith.constant 0 : i32
    %dma_wait3A_25 = arith.constant 0 : i32
    %dma_wait3A_26 = tpu.memref_slice %arg6[%dma_wait3A, %dma_wait3A_24, %dma_wait3A_25] : memref<2x32x1024xf32, #tpu.memory_space<vmem>> -> memref<1x32x1024xf32, #tpu.memory_space<vmem>>
    %dma_wait3A_27 = tpu.memref_squeeze %dma_wait3A_26 : memref<1x32x1024xf32, #tpu.memory_space<vmem>> -> memref<32x1024xf32, #tpu.memory_space<vmem>>
    %dma_wait3A_28 = arith.constant 0 : i32
    %dma_wait3A_29 = tpu.memref_slice %arg5[%dma_wait3A_28] : memref<128xi32, #tpu.memory_space<vmem>> -> memref<32xi32, #tpu.memory_space<vmem>>
    %dma_wait3A_30 = arith.constant 0 : i32
    %dma_wait3A_31 = arith.constant 0 : i32
    %dma_wait3A_32 = tpu.memref_slice %arg3[%dma_wait3A_30, %dma_wait3A_31] : memref<100000x1024xf32, #tpu.memory_space<hbm>> -> memref<100000x1024xf32, #tpu.memory_space<hbm>>
    tpu.wait_indirect_dma semaphore(%arg8 : memref<!tpu.dma_semaphore, #tpu.memory_space<semaphore_mem>>) src(%dma_wait3A_32 : memref<100000x1024xf32, #tpu.memory_space<hbm>>) dst(%dma_wait3A_27 : memref<32x1024xf32, #tpu.memory_space<vmem>>)
    %scan3A = arith.constant 0 : i32
    %scan3A_33 = arith.constant 0 : i32
    %scan3A_34 = arith.constant 64 : i32
    %scan3A_35 = arith.addi %scan3A_33, %scan3A_34 : i32
    %scan3A_36 = arith.constant 1 : i32
    %scan3A_37 = scf.for %scan3A_110 = %scan3A_33 to %scan3A_35 step %scan3A_36 iter_args(%scan3A_111 = %scan3A) -> (i32)  : i32 {
      %mul3A_112 = arith.constant 16 : i32
      %mul3A_113 = arith.muli %scan3A_110, %mul3A_112 : i32
      %get3A = arith.constant 0 : i32
      %get3A_114 = arith.constant 0 : i32
      %get3A_115 = arith.index_cast %get3A : i32 to index
      %get3A_116 = arith.index_cast %get3A_114 : i32 to index
      %get3A_117 = arith.index_cast %mul3A_113 : i32 to index
      %get3A_118 = tpu.vector_load %arg6[%get3A_115, %get3A_116, %get3A_117] {strides = array<i32>} : memref<2x32x1024xf32, #tpu.memory_space<vmem>>, vector<1x1x16xf32>,
      %get3A_119 = vector.shape_cast %get3A_118 : vector<1x1x16xf32> to vector<16xf32>
      %get3A_120 = arith.constant 0 : i32
      %get3A_121 = arith.constant 1 : i32
      %get3A_122 = arith.index_cast %get3A_120 : i32 to index
      %get3A_123 = arith.index_cast %get3A_121 : i32 to index
      %get3A_124 = arith.index_cast %mul3A_113 : i32 to index
      %get3A_125 = tpu.vector_load %arg6[%get3A_122, %get3A_123, %get3A_124] {strides = array<i32>} : memref<2x32x1024xf32, #tpu.memory_space<vmem>>, vector<1x1x16xf32>,
      %get3A_126 = vector.shape_cast %get3A_125 : vector<1x1x16xf32> to vector<16xf32>
      %get3A_127 = arith.constant 0 : i32
      %get3A_128 = arith.constant 2 : i32
      %get3A_129 = arith.index_cast %get3A_127 : i32 to index
      %get3A_130 = arith.index_cast %get3A_128 : i32 to index
      %get3A_131 = arith.index_cast %mul3A_113 : i32 to index
      %get3A_132 = tpu.vector_load %arg6[%get3A_129, %get3A_130, %get3A_131] {strides = array<i32>} : memref<2x32x1024xf32, #tpu.memory_space<vmem>>, vector<1x1x16xf32>,
      %get3A_133 = vector.shape_cast %get3A_132 : vector<1x1x16xf32> to vector<16xf32>
      %get3A_134 = arith.constant 0 : i32
      %get3A_135 = arith.constant 3 : i32
      %get3A_136 = arith.index_cast %get3A_134 : i32 to index
      %get3A_137 = arith.index_cast %get3A_135 : i32 to index
      %get3A_138 = arith.index_cast %mul3A_113 : i32 to index
      %get3A_139 = tpu.vector_load %arg6[%get3A_136, %get3A_137, %get3A_138] {strides = array<i32>} : memref<2x32x1024xf32, #tpu.memory_space<vmem>>, vector<1x1x16xf32>,
      %get3A_140 = vector.shape_cast %get3A_139 : vector<1x1x16xf32> to vector<16xf32>
      %get3A_141 = arith.constant 0 : i32
      %get3A_142 = arith.constant 4 : i32
      %get3A_143 = arith.index_cast %get3A_141 : i32 to index
      %get3A_144 = arith.index_cast %get3A_142 : i32 to index
      %get3A_145 = arith.index_cast %mul3A_113 : i32 to index
      %get3A_146 = tpu.vector_load %arg6[%get3A_143, %get3A_144, %get3A_145] {strides = array<i32>} : memref<2x32x1024xf32, #tpu.memory_space<vmem>>, vector<1x1x16xf32>,
      %get3A_147 = vector.shape_cast %get3A_146 : vector<1x1x16xf32> to vector<16xf32>
      %get3A_148 = arith.constant 0 : i32
      %get3A_149 = arith.constant 5 : i32
      %get3A_150 = arith.index_cast %get3A_148 : i32 to index
      %get3A_151 = arith.index_cast %get3A_149 : i32 to index
      %get3A_152 = arith.index_cast %mul3A_113 : i32 to index
      %get3A_153 = tpu.vector_load %arg6[%get3A_150, %get3A_151, %get3A_152] {strides = array<i32>} : memref<2x32x1024xf32, #tpu.memory_space<vmem>>, vector<1x1x16xf32>,
      %get3A_154 = vector.shape_cast %get3A_153 : vector<1x1x16xf32> to vector<16xf32>
      %get3A_155 = arith.constant 0 : i32
      %get3A_156 = arith.constant 6 : i32
      %get3A_157 = arith.index_cast %get3A_155 : i32 to index
      %get3A_158 = arith.index_cast %get3A_156 : i32 to index
      %get3A_159 = arith.index_cast %mul3A_113 : i32 to index
      %get3A_160 = tpu.vector_load %arg6[%get3A_157, %get3A_158, %get3A_159] {strides = array<i32>} : memref<2x32x1024xf32, #tpu.memory_space<vmem>>, vector<1x1x16xf32>,
      %get3A_161 = vector.shape_cast %get3A_160 : vector<1x1x16xf32> to vector<16xf32>
      %get3A_162 = arith.constant 0 : i32
      %get3A_163 = arith.constant 7 : i32
      %get3A_164 = arith.index_cast %get3A_162 : i32 to index
      %get3A_165 = arith.index_cast %get3A_163 : i32 to index
      %get3A_166 = arith.index_cast %mul3A_113 : i32 to index
      %get3A_167 = tpu.vector_load %arg6[%get3A_164, %get3A_165, %get3A_166] {strides = array<i32>} : memref<2x32x1024xf32, #tpu.memory_space<vmem>>, vector<1x1x16xf32>,
      %get3A_168 = vector.shape_cast %get3A_167 : vector<1x1x16xf32> to vector<16xf32>
      %get3A_169 = arith.constant 0 : i32
      %get3A_170 = arith.constant 8 : i32
      %get3A_171 = arith.index_cast %get3A_169 : i32 to index
      %get3A_172 = arith.index_cast %get3A_170 : i32 to index
      %get3A_173 = arith.index_cast %mul3A_113 : i32 to index
      %get3A_174 = tpu.vector_load %arg6[%get3A_171, %get3A_172, %get3A_173] {strides = array<i32>} : memref<2x32x1024xf32, #tpu.memory_space<vmem>>, vector<1x1x16xf32>,
      %get3A_175 = vector.shape_cast %get3A_174 : vector<1x1x16xf32> to vector<16xf32>
      %get3A_176 = arith.constant 0 : i32
      %get3A_177 = arith.constant 9 : i32
      %get3A_178 = arith.index_cast %get3A_176 : i32 to index
      %get3A_179 = arith.index_cast %get3A_177 : i32 to index
      %get3A_180 = arith.index_cast %mul3A_113 : i32 to index
      %get3A_181 = tpu.vector_load %arg6[%get3A_178, %get3A_179, %get3A_180] {strides = array<i32>} : memref<2x32x1024xf32, #tpu.memory_space<vmem>>, vector<1x1x16xf32>,
      %get3A_182 = vector.shape_cast %get3A_181 : vector<1x1x16xf32> to vector<16xf32>
      %get3A_183 = arith.constant 0 : i32
      %get3A_184 = arith.constant 10 : i32
      %get3A_185 = arith.index_cast %get3A_183 : i32 to index
      %get3A_186 = arith.index_cast %get3A_184 : i32 to index
      %get3A_187 = arith.index_cast %mul3A_113 : i32 to index
      %get3A_188 = tpu.vector_load %arg6[%get3A_185, %get3A_186, %get3A_187] {strides = array<i32>} : memref<2x32x1024xf32, #tpu.memory_space<vmem>>, vector<1x1x16xf32>,
      %get3A_189 = vector.shape_cast %get3A_188 : vector<1x1x16xf32> to vector<16xf32>
      %get3A_190 = arith.constant 0 : i32
      %get3A_191 = arith.constant 11 : i32
      %get3A_192 = arith.index_cast %get3A_190 : i32 to index
      %get3A_193 = arith.index_cast %get3A_191 : i32 to index
      %get3A_194 = arith.index_cast %mul3A_113 : i32 to index
      %get3A_195 = tpu.vector_load %arg6[%get3A_192, %get3A_193, %get3A_194] {strides = array<i32>} : memref<2x32x1024xf32, #tpu.memory_space<vmem>>, vector<1x1x16xf32>,
      %get3A_196 = vector.shape_cast %get3A_195 : vector<1x1x16xf32> to vector<16xf32>
      %get3A_197 = arith.constant 0 : i32
      %get3A_198 = arith.constant 12 : i32
      %get3A_199 = arith.index_cast %get3A_197 : i32 to index
      %get3A_200 = arith.index_cast %get3A_198 : i32 to index
      %get3A_201 = arith.index_cast %mul3A_113 : i32 to index
      %get3A_202 = tpu.vector_load %arg6[%get3A_199, %get3A_200, %get3A_201] {strides = array<i32>} : memref<2x32x1024xf32, #tpu.memory_space<vmem>>, vector<1x1x16xf32>,
      %get3A_203 = vector.shape_cast %get3A_202 : vector<1x1x16xf32> to vector<16xf32>
      %get3A_204 = arith.constant 0 : i32
      %get3A_205 = arith.constant 13 : i32
      %get3A_206 = arith.index_cast %get3A_204 : i32 to index
      %get3A_207 = arith.index_cast %get3A_205 : i32 to index
      %get3A_208 = arith.index_cast %mul3A_113 : i32 to index
      %get3A_209 = tpu.vector_load %arg6[%get3A_206, %get3A_207, %get3A_208] {strides = array<i32>} : memref<2x32x1024xf32, #tpu.memory_space<vmem>>, vector<1x1x16xf32>,
      %get3A_210 = vector.shape_cast %get3A_209 : vector<1x1x16xf32> to vector<16xf32>
      %get3A_211 = arith.constant 0 : i32
      %get3A_212 = arith.constant 14 : i32
      %get3A_213 = arith.index_cast %get3A_211 : i32 to index
      %get3A_214 = arith.index_cast %get3A_212 : i32 to index
      %get3A_215 = arith.index_cast %mul3A_113 : i32 to index
      %get3A_216 = tpu.vector_load %arg6[%get3A_213, %get3A_214, %get3A_215] {strides = array<i32>} : memref<2x32x1024xf32, #tpu.memory_space<vmem>>, vector<1x1x16xf32>,
      %get3A_217 = vector.shape_cast %get3A_216 : vector<1x1x16xf32> to vector<16xf32>
      %get3A_218 = arith.constant 0 : i32
      %get3A_219 = arith.constant 15 : i32
      %get3A_220 = arith.index_cast %get3A_218 : i32 to index
      %get3A_221 = arith.index_cast %get3A_219 : i32 to index
      %get3A_222 = arith.index_cast %mul3A_113 : i32 to index
      %get3A_223 = tpu.vector_load %arg6[%get3A_220, %get3A_221, %get3A_222] {strides = array<i32>} : memref<2x32x1024xf32, #tpu.memory_space<vmem>>, vector<1x1x16xf32>,
      %get3A_224 = vector.shape_cast %get3A_223 : vector<1x1x16xf32> to vector<16xf32>
      %get3A_225 = arith.constant 0 : i32
      %get3A_226 = arith.constant 16 : i32
      %get3A_227 = arith.index_cast %get3A_225 : i32 to index
      %get3A_228 = arith.index_cast %get3A_226 : i32 to index
      %get3A_229 = arith.index_cast %mul3A_113 : i32 to index
      %get3A_230 = tpu.vector_load %arg6[%get3A_227, %get3A_228, %get3A_229] {strides = array<i32>} : memref<2x32x1024xf32, #tpu.memory_space<vmem>>, vector<1x1x16xf32>,
      %get3A_231 = vector.shape_cast %get3A_230 : vector<1x1x16xf32> to vector<16xf32>
      %get3A_232 = arith.constant 0 : i32
      %get3A_233 = arith.constant 17 : i32
      %get3A_234 = arith.index_cast %get3A_232 : i32 to index
      %get3A_235 = arith.index_cast %get3A_233 : i32 to index
      %get3A_236 = arith.index_cast %mul3A_113 : i32 to index
      %get3A_237 = tpu.vector_load %arg6[%get3A_234, %get3A_235, %get3A_236] {strides = array<i32>} : memref<2x32x1024xf32, #tpu.memory_space<vmem>>, vector<1x1x16xf32>,
      %get3A_238 = vector.shape_cast %get3A_237 : vector<1x1x16xf32> to vector<16xf32>
      %get3A_239 = arith.constant 0 : i32
      %get3A_240 = arith.constant 18 : i32
      %get3A_241 = arith.index_cast %get3A_239 : i32 to index
      %get3A_242 = arith.index_cast %get3A_240 : i32 to index
      %get3A_243 = arith.index_cast %mul3A_113 : i32 to index
      %get3A_244 = tpu.vector_load %arg6[%get3A_241, %get3A_242, %get3A_243] {strides = array<i32>} : memref<2x32x1024xf32, #tpu.memory_space<vmem>>, vector<1x1x16xf32>,
      %get3A_245 = vector.shape_cast %get3A_244 : vector<1x1x16xf32> to vector<16xf32>
      %get3A_246 = arith.constant 0 : i32
      %get3A_247 = arith.constant 19 : i32
      %get3A_248 = arith.index_cast %get3A_246 : i32 to index
      %get3A_249 = arith.index_cast %get3A_247 : i32 to index
      %get3A_250 = arith.index_cast %mul3A_113 : i32 to index
      %get3A_251 = tpu.vector_load %arg6[%get3A_248, %get3A_249, %get3A_250] {strides = array<i32>} : memref<2x32x1024xf32, #tpu.memory_space<vmem>>, vector<1x1x16xf32>,
      %get3A_252 = vector.shape_cast %get3A_251 : vector<1x1x16xf32> to vector<16xf32>
      %get3A_253 = arith.constant 0 : i32
      %get3A_254 = arith.constant 20 : i32
      %get3A_255 = arith.index_cast %get3A_253 : i32 to index
      %get3A_256 = arith.index_cast %get3A_254 : i32 to index
      %get3A_257 = arith.index_cast %mul3A_113 : i32 to index
      %get3A_258 = tpu.vector_load %arg6[%get3A_255, %get3A_256, %get3A_257] {strides = array<i32>} : memref<2x32x1024xf32, #tpu.memory_space<vmem>>, vector<1x1x16xf32>,
      %get3A_259 = vector.shape_cast %get3A_258 : vector<1x1x16xf32> to vector<16xf32>
      %get3A_260 = arith.constant 0 : i32
      %get3A_261 = arith.constant 21 : i32
      %get3A_262 = arith.index_cast %get3A_260 : i32 to index
      %get3A_263 = arith.index_cast %get3A_261 : i32 to index
      %get3A_264 = arith.index_cast %mul3A_113 : i32 to index
      %get3A_265 = tpu.vector_load %arg6[%get3A_262, %get3A_263, %get3A_264] {strides = array<i32>} : memref<2x32x1024xf32, #tpu.memory_space<vmem>>, vector<1x1x16xf32>,
      %get3A_266 = vector.shape_cast %get3A_265 : vector<1x1x16xf32> to vector<16xf32>
      %get3A_267 = arith.constant 0 : i32
      %get3A_268 = arith.constant 22 : i32
      %get3A_269 = arith.index_cast %get3A_267 : i32 to index
      %get3A_270 = arith.index_cast %get3A_268 : i32 to index
      %get3A_271 = arith.index_cast %mul3A_113 : i32 to index
      %get3A_272 = tpu.vector_load %arg6[%get3A_269, %get3A_270, %get3A_271] {strides = array<i32>} : memref<2x32x1024xf32, #tpu.memory_space<vmem>>, vector<1x1x16xf32>,
      %get3A_273 = vector.shape_cast %get3A_272 : vector<1x1x16xf32> to vector<16xf32>
      %get3A_274 = arith.constant 0 : i32
      %get3A_275 = arith.constant 23 : i32
      %get3A_276 = arith.index_cast %get3A_274 : i32 to index
      %get3A_277 = arith.index_cast %get3A_275 : i32 to index
      %get3A_278 = arith.index_cast %mul3A_113 : i32 to index
      %get3A_279 = tpu.vector_load %arg6[%get3A_276, %get3A_277, %get3A_278] {strides = array<i32>} : memref<2x32x1024xf32, #tpu.memory_space<vmem>>, vector<1x1x16xf32>,
      %get3A_280 = vector.shape_cast %get3A_279 : vector<1x1x16xf32> to vector<16xf32>
      %get3A_281 = arith.constant 0 : i32
      %get3A_282 = arith.constant 24 : i32
      %get3A_283 = arith.index_cast %get3A_281 : i32 to index
      %get3A_284 = arith.index_cast %get3A_282 : i32 to index
      %get3A_285 = arith.index_cast %mul3A_113 : i32 to index
      %get3A_286 = tpu.vector_load %arg6[%get3A_283, %get3A_284, %get3A_285] {strides = array<i32>} : memref<2x32x1024xf32, #tpu.memory_space<vmem>>, vector<1x1x16xf32>,
      %get3A_287 = vector.shape_cast %get3A_286 : vector<1x1x16xf32> to vector<16xf32>
      %get3A_288 = arith.constant 0 : i32
      %get3A_289 = arith.constant 25 : i32
      %get3A_290 = arith.index_cast %get3A_288 : i32 to index
      %get3A_291 = arith.index_cast %get3A_289 : i32 to index
      %get3A_292 = arith.index_cast %mul3A_113 : i32 to index
      %get3A_293 = tpu.vector_load %arg6[%get3A_290, %get3A_291, %get3A_292] {strides = array<i32>} : memref<2x32x1024xf32, #tpu.memory_space<vmem>>, vector<1x1x16xf32>,
      %get3A_294 = vector.shape_cast %get3A_293 : vector<1x1x16xf32> to vector<16xf32>
      %get3A_295 = arith.constant 0 : i32
      %get3A_296 = arith.constant 26 : i32
      %get3A_297 = arith.index_cast %get3A_295 : i32 to index
      %get3A_298 = arith.index_cast %get3A_296 : i32 to index
      %get3A_299 = arith.index_cast %mul3A_113 : i32 to index
      %get3A_300 = tpu.vector_load %arg6[%get3A_297, %get3A_298, %get3A_299] {strides = array<i32>} : memref<2x32x1024xf32, #tpu.memory_space<vmem>>, vector<1x1x16xf32>,
      %get3A_301 = vector.shape_cast %get3A_300 : vector<1x1x16xf32> to vector<16xf32>
      %get3A_302 = arith.constant 0 : i32
      %get3A_303 = arith.constant 27 : i32
      %get3A_304 = arith.index_cast %get3A_302 : i32 to index
      %get3A_305 = arith.index_cast %get3A_303 : i32 to index
      %get3A_306 = arith.index_cast %mul3A_113 : i32 to index
      %get3A_307 = tpu.vector_load %arg6[%get3A_304, %get3A_305, %get3A_306] {strides = array<i32>} : memref<2x32x1024xf32, #tpu.memory_space<vmem>>, vector<1x1x16xf32>,
      %get3A_308 = vector.shape_cast %get3A_307 : vector<1x1x16xf32> to vector<16xf32>
      %get3A_309 = arith.constant 0 : i32
      %get3A_310 = arith.constant 28 : i32
      %get3A_311 = arith.index_cast %get3A_309 : i32 to index
      %get3A_312 = arith.index_cast %get3A_310 : i32 to index
      %get3A_313 = arith.index_cast %mul3A_113 : i32 to index
      %get3A_314 = tpu.vector_load %arg6[%get3A_311, %get3A_312, %get3A_313] {strides = array<i32>} : memref<2x32x1024xf32, #tpu.memory_space<vmem>>, vector<1x1x16xf32>,
      %get3A_315 = vector.shape_cast %get3A_314 : vector<1x1x16xf32> to vector<16xf32>
      %get3A_316 = arith.constant 0 : i32
      %get3A_317 = arith.constant 29 : i32
      %get3A_318 = arith.index_cast %get3A_316 : i32 to index
      %get3A_319 = arith.index_cast %get3A_317 : i32 to index
      %get3A_320 = arith.index_cast %mul3A_113 : i32 to index
      %get3A_321 = tpu.vector_load %arg6[%get3A_318, %get3A_319, %get3A_320] {strides = array<i32>} : memref<2x32x1024xf32, #tpu.memory_space<vmem>>, vector<1x1x16xf32>,
      %get3A_322 = vector.shape_cast %get3A_321 : vector<1x1x16xf32> to vector<16xf32>
      %get3A_323 = arith.constant 0 : i32
      %get3A_324 = arith.constant 30 : i32
      %get3A_325 = arith.index_cast %get3A_323 : i32 to index
      %get3A_326 = arith.index_cast %get3A_324 : i32 to index
      %get3A_327 = arith.index_cast %mul3A_113 : i32 to index
      %get3A_328 = tpu.vector_load %arg6[%get3A_325, %get3A_326, %get3A_327] {strides = array<i32>} : memref<2x32x1024xf32, #tpu.memory_space<vmem>>, vector<1x1x16xf32>,
      %get3A_329 = vector.shape_cast %get3A_328 : vector<1x1x16xf32> to vector<16xf32>
      %get3A_330 = arith.constant 0 : i32
      %get3A_331 = arith.constant 31 : i32
      %get3A_332 = arith.index_cast %get3A_330 : i32 to index
      %get3A_333 = arith.index_cast %get3A_331 : i32 to index
      %get3A_334 = arith.index_cast %mul3A_113 : i32 to index
      %get3A_335 = tpu.vector_load %arg6[%get3A_332, %get3A_333, %get3A_334] {strides = array<i32>} : memref<2x32x1024xf32, #tpu.memory_space<vmem>>, vector<1x1x16xf32>,
      %get3A_336 = vector.shape_cast %get3A_335 : vector<1x1x16xf32> to vector<16xf32>
      %add3A_337 = arith.addf %get3A_119, %get3A_126 : vector<16xf32>
      %add3A_338 = arith.addf %get3A_133, %get3A_140 : vector<16xf32>
      %add3A_339 = arith.addf %get3A_147, %get3A_154 : vector<16xf32>
      %add3A_340 = arith.addf %get3A_161, %get3A_168 : vector<16xf32>
      %add3A_341 = arith.addf %get3A_175, %get3A_182 : vector<16xf32>
      %add3A_342 = arith.addf %get3A_189, %get3A_196 : vector<16xf32>
      %add3A_343 = arith.addf %get3A_203, %get3A_210 : vector<16xf32>
      %add3A_344 = arith.addf %get3A_217, %get3A_224 : vector<16xf32>
      %add3A_345 = arith.addf %get3A_231, %get3A_238 : vector<16xf32>
      %add3A_346 = arith.addf %get3A_245, %get3A_252 : vector<16xf32>
      %add3A_347 = arith.addf %get3A_259, %get3A_266 : vector<16xf32>
      %add3A_348 = arith.addf %get3A_273, %get3A_280 : vector<16xf32>
      %add3A_349 = arith.addf %get3A_287, %get3A_294 : vector<16xf32>
      %add3A_350 = arith.addf %get3A_301, %get3A_308 : vector<16xf32>
      %add3A_351 = arith.addf %get3A_315, %get3A_322 : vector<16xf32>
      %add3A_352 = arith.addf %get3A_329, %get3A_336 : vector<16xf32>
      %add3A_353 = arith.addf %add3A_337, %add3A_338 : vector<16xf32>
      %add3A_354 = arith.addf %add3A_339, %add3A_340 : vector<16xf32>
      %add3A_355 = arith.addf %add3A_341, %add3A_342 : vector<16xf32>
      %add3A_356 = arith.addf %add3A_343, %add3A_344 : vector<16xf32>
      %add3A_357 = arith.addf %add3A_345, %add3A_346 : vector<16xf32>
      %add3A_358 = arith.addf %add3A_347, %add3A_348 : vector<16xf32>
      %add3A_359 = arith.addf %add3A_349, %add3A_350 : vector<16xf32>
      %add3A_360 = arith.addf %add3A_351, %add3A_352 : vector<16xf32>
      %add3A_361 = arith.addf %add3A_353, %add3A_354 : vector<16xf32>
      %add3A_362 = arith.addf %add3A_355, %add3A_356 : vector<16xf32>
      %add3A_363 = arith.addf %add3A_357, %add3A_358 : vector<16xf32>
      %add3A_364 = arith.addf %add3A_359, %add3A_360 : vector<16xf32>
      %add3A_365 = arith.addf %add3A_361, %add3A_362 : vector<16xf32>
      %add3A_366 = arith.addf %add3A_363, %add3A_364 : vector<16xf32>
      %add3A_367 = arith.addf %add3A_365, %add3A_366 : vector<16xf32>
      %mul3A_368 = arith.constant 3.125000e-02 : f32
      %mul3A_369 = vector.broadcast %mul3A_368 : f32 to vector<16xf32>
      %mul3A_370 = arith.mulf %add3A_367, %mul3A_369 : vector<16xf32>
      %swap3A = arith.constant 0 : i32
      %swap3A_371 = arith.index_cast %swap3A : i32 to index
      %swap3A_372 = arith.index_cast %mul3A_113 : i32 to index
      %swap3A_373 = tpu.vector_load %arg7[%swap3A_371, %swap3A_372] {strides = array<i32>} : memref<4x1024xf32, #tpu.memory_space<vmem>>, vector<1x16xf32>,
      %swap3A_374 = vector.shape_cast %swap3A_373 : vector<1x16xf32> to vector<16xf32>
      %swap3A_375 = vector.shape_cast %mul3A_370 : vector<16xf32> to vector<1x16xf32>
      tpu.vector_store %arg7[%swap3A_371, %swap3A_372], %swap3A_375 {strides = array<i32>} : memref<4x1024xf32, #tpu.memory_space<vmem>>, vector<1x16xf32>,
      %scan3A_376 = arith.constant 0 : i32
      scf.yield %scan3A_376 : i32
    }
    %scan3A_38 = arith.constant 64 : i32
    %dma_start3A_39 = arith.constant 0 : i32
    %dma_start3A_40 = arith.constant 0 : i32
    %dma_start3A_41 = arith.constant 0 : i32
    %dma_start3A_42 = tpu.memref_slice %arg6[%dma_start3A_39, %dma_start3A_40, %dma_start3A_41] : memref<2x32x1024xf32, #tpu.memory_space<vmem>> -> memref<1x32x1024xf32, #tpu.memory_space<vmem>>
    %dma_start3A_43 = tpu.memref_squeeze %dma_start3A_42 : memref<1x32x1024xf32, #tpu.memory_space<vmem>> -> memref<32x1024xf32, #tpu.memory_space<vmem>>
    %dma_start3A_44 = arith.constant 64 : i32
    %dma_start3A_45 = tpu.memref_slice %arg5[%dma_start3A_44] : memref<128xi32, #tpu.memory_space<vmem>> -> memref<32xi32, #tpu.memory_space<vmem>>
    %dma_start3A_46 = arith.constant 0 : i32
    %dma_start3A_47 = arith.constant 0 : i32
    %dma_start3A_48 = tpu.memref_slice %arg3[%dma_start3A_46, %dma_start3A_47] : memref<100000x1024xf32, #tpu.memory_space<hbm>> -> memref<100000x1024xf32, #tpu.memory_space<hbm>>
    tpu.enqueue_indirect_dma source(%dma_start3A_48 : memref<100000x1024xf32, #tpu.memory_space<hbm>>) target(%dma_start3A_43 : memref<32x1024xf32, #tpu.memory_space<vmem>>) offsets(%dma_start3A_45 : memref<32xi32, #tpu.memory_space<vmem>>) semaphore(%arg8 : memref<!tpu.dma_semaphore, #tpu.memory_space<semaphore_mem>>)
    %dma_wait3A_49 = arith.constant 1 : i32
    %dma_wait3A_50 = arith.constant 0 : i32
    %dma_wait3A_51 = arith.constant 0 : i32
    %dma_wait3A_52 = tpu.memref_slice %arg6[%dma_wait3A_49, %dma_wait3A_50, %dma_wait3A_51] : memref<2x32x1024xf32, #tpu.memory_space<vmem>> -> memref<1x32x1024xf32, #tpu.memory_space<vmem>>
    %dma_wait3A_53 = tpu.memref_squeeze %dma_wait3A_52 : memref<1x32x1024xf32, #tpu.memory_space<vmem>> -> memref<32x1024xf32, #tpu.memory_space<vmem>>
    %dma_wait3A_54 = arith.constant 32 : i32
    %dma_wait3A_55 = tpu.memref_slice %arg5[%dma_wait3A_54] : memref<128xi32, #tpu.memory_space<vmem>> -> memref<32xi32, #tpu.memory_space<vmem>>
    %dma_wait3A_56 = arith.constant 0 : i32
    %dma_wait3A_57 = arith.constant 0 : i32
    %dma_wait3A_58 = tpu.memref_slice %arg3[%dma_wait3A_56, %dma_wait3A_57] : memref<100000x1024xf32, #tpu.memory_space<hbm>> -> memref<100000x1024xf32, #tpu.memory_space<hbm>>
    tpu.wait_indirect_dma semaphore(%arg9 : memref<!tpu.dma_semaphore, #tpu.memory_space<semaphore_mem>>) src(%dma_wait3A_58 : memref<100000x1024xf32, #tpu.memory_space<hbm>>) dst(%dma_wait3A_53 : memref<32x1024xf32, #tpu.memory_space<vmem>>)
    %scan3A_59 = arith.constant 0 : i32
    %scan3A_60 = arith.constant 0 : i32
    %scan3A_61 = arith.constant 64 : i32
    %scan3A_62 = arith.addi %scan3A_60, %scan3A_61 : i32
    %scan3A_63 = arith.constant 1 : i32
    %scan3A_64 = scf.for %scan3A_110 = %scan3A_60 to %scan3A_62 step %scan3A_63 iter_args(%scan3A_111 = %scan3A_59) -> (i32)  : i32 {
      %mul3A_112 = arith.constant 16 : i32
      %mul3A_113 = arith.muli %scan3A_110, %mul3A_112 : i32
      %get3A = arith.constant 1 : i32
      %get3A_114 = arith.constant 0 : i32
      %get3A_115 = arith.index_cast %get3A : i32 to index
      %get3A_116 = arith.index_cast %get3A_114 : i32 to index
      %get3A_117 = arith.index_cast %mul3A_113 : i32 to index
      %get3A_118 = tpu.vector_load %arg6[%get3A_115, %get3A_116, %get3A_117] {strides = array<i32>} : memref<2x32x1024xf32, #tpu.memory_space<vmem>>, vector<1x1x16xf32>,
      %get3A_119 = vector.shape_cast %get3A_118 : vector<1x1x16xf32> to vector<16xf32>
      %get3A_120 = arith.constant 1 : i32
      %get3A_121 = arith.constant 1 : i32
      %get3A_122 = arith.index_cast %get3A_120 : i32 to index
      %get3A_123 = arith.index_cast %get3A_121 : i32 to index
      %get3A_124 = arith.index_cast %mul3A_113 : i32 to index
      %get3A_125 = tpu.vector_load %arg6[%get3A_122, %get3A_123, %get3A_124] {strides = array<i32>} : memref<2x32x1024xf32, #tpu.memory_space<vmem>>, vector<1x1x16xf32>,
      %get3A_126 = vector.shape_cast %get3A_125 : vector<1x1x16xf32> to vector<16xf32>
      %get3A_127 = arith.constant 1 : i32
      %get3A_128 = arith.constant 2 : i32
      %get3A_129 = arith.index_cast %get3A_127 : i32 to index
      %get3A_130 = arith.index_cast %get3A_128 : i32 to index
      %get3A_131 = arith.index_cast %mul3A_113 : i32 to index
      %get3A_132 = tpu.vector_load %arg6[%get3A_129, %get3A_130, %get3A_131] {strides = array<i32>} : memref<2x32x1024xf32, #tpu.memory_space<vmem>>, vector<1x1x16xf32>,
      %get3A_133 = vector.shape_cast %get3A_132 : vector<1x1x16xf32> to vector<16xf32>
      %get3A_134 = arith.constant 1 : i32
      %get3A_135 = arith.constant 3 : i32
      %get3A_136 = arith.index_cast %get3A_134 : i32 to index
      %get3A_137 = arith.index_cast %get3A_135 : i32 to index
      %get3A_138 = arith.index_cast %mul3A_113 : i32 to index
      %get3A_139 = tpu.vector_load %arg6[%get3A_136, %get3A_137, %get3A_138] {strides = array<i32>} : memref<2x32x1024xf32, #tpu.memory_space<vmem>>, vector<1x1x16xf32>,
      %get3A_140 = vector.shape_cast %get3A_139 : vector<1x1x16xf32> to vector<16xf32>
      %get3A_141 = arith.constant 1 : i32
      %get3A_142 = arith.constant 4 : i32
      %get3A_143 = arith.index_cast %get3A_141 : i32 to index
      %get3A_144 = arith.index_cast %get3A_142 : i32 to index
      %get3A_145 = arith.index_cast %mul3A_113 : i32 to index
      %get3A_146 = tpu.vector_load %arg6[%get3A_143, %get3A_144, %get3A_145] {strides = array<i32>} : memref<2x32x1024xf32, #tpu.memory_space<vmem>>, vector<1x1x16xf32>,
      %get3A_147 = vector.shape_cast %get3A_146 : vector<1x1x16xf32> to vector<16xf32>
      %get3A_148 = arith.constant 1 : i32
      %get3A_149 = arith.constant 5 : i32
      %get3A_150 = arith.index_cast %get3A_148 : i32 to index
      %get3A_151 = arith.index_cast %get3A_149 : i32 to index
      %get3A_152 = arith.index_cast %mul3A_113 : i32 to index
      %get3A_153 = tpu.vector_load %arg6[%get3A_150, %get3A_151, %get3A_152] {strides = array<i32>} : memref<2x32x1024xf32, #tpu.memory_space<vmem>>, vector<1x1x16xf32>,
      %get3A_154 = vector.shape_cast %get3A_153 : vector<1x1x16xf32> to vector<16xf32>
      %get3A_155 = arith.constant 1 : i32
      %get3A_156 = arith.constant 6 : i32
      %get3A_157 = arith.index_cast %get3A_155 : i32 to index
      %get3A_158 = arith.index_cast %get3A_156 : i32 to index
      %get3A_159 = arith.index_cast %mul3A_113 : i32 to index
      %get3A_160 = tpu.vector_load %arg6[%get3A_157, %get3A_158, %get3A_159] {strides = array<i32>} : memref<2x32x1024xf32, #tpu.memory_space<vmem>>, vector<1x1x16xf32>,
      %get3A_161 = vector.shape_cast %get3A_160 : vector<1x1x16xf32> to vector<16xf32>
      %get3A_162 = arith.constant 1 : i32
      %get3A_163 = arith.constant 7 : i32
      %get3A_164 = arith.index_cast %get3A_162 : i32 to index
      %get3A_165 = arith.index_cast %get3A_163 : i32 to index
      %get3A_166 = arith.index_cast %mul3A_113 : i32 to index
      %get3A_167 = tpu.vector_load %arg6[%get3A_164, %get3A_165, %get3A_166] {strides = array<i32>} : memref<2x32x1024xf32, #tpu.memory_space<vmem>>, vector<1x1x16xf32>,
      %get3A_168 = vector.shape_cast %get3A_167 : vector<1x1x16xf32> to vector<16xf32>
      %get3A_169 = arith.constant 1 : i32
      %get3A_170 = arith.constant 8 : i32
      %get3A_171 = arith.index_cast %get3A_169 : i32 to index
      %get3A_172 = arith.index_cast %get3A_170 : i32 to index
      %get3A_173 = arith.index_cast %mul3A_113 : i32 to index
      %get3A_174 = tpu.vector_load %arg6[%get3A_171, %get3A_172, %get3A_173] {strides = array<i32>} : memref<2x32x1024xf32, #tpu.memory_space<vmem>>, vector<1x1x16xf32>,
      %get3A_175 = vector.shape_cast %get3A_174 : vector<1x1x16xf32> to vector<16xf32>
      %get3A_176 = arith.constant 1 : i32
      %get3A_177 = arith.constant 9 : i32
      %get3A_178 = arith.index_cast %get3A_176 : i32 to index
      %get3A_179 = arith.index_cast %get3A_177 : i32 to index
      %get3A_180 = arith.index_cast %mul3A_113 : i32 to index
      %get3A_181 = tpu.vector_load %arg6[%get3A_178, %get3A_179, %get3A_180] {strides = array<i32>} : memref<2x32x1024xf32, #tpu.memory_space<vmem>>, vector<1x1x16xf32>,
      %get3A_182 = vector.shape_cast %get3A_181 : vector<1x1x16xf32> to vector<16xf32>
      %get3A_183 = arith.constant 1 : i32
      %get3A_184 = arith.constant 10 : i32
      %get3A_185 = arith.index_cast %get3A_183 : i32 to index
      %get3A_186 = arith.index_cast %get3A_184 : i32 to index
      %get3A_187 = arith.index_cast %mul3A_113 : i32 to index
      %get3A_188 = tpu.vector_load %arg6[%get3A_185, %get3A_186, %get3A_187] {strides = array<i32>} : memref<2x32x1024xf32, #tpu.memory_space<vmem>>, vector<1x1x16xf32>,
      %get3A_189 = vector.shape_cast %get3A_188 : vector<1x1x16xf32> to vector<16xf32>
      %get3A_190 = arith.constant 1 : i32
      %get3A_191 = arith.constant 11 : i32
      %get3A_192 = arith.index_cast %get3A_190 : i32 to index
      %get3A_193 = arith.index_cast %get3A_191 : i32 to index
      %get3A_194 = arith.index_cast %mul3A_113 : i32 to index
      %get3A_195 = tpu.vector_load %arg6[%get3A_192, %get3A_193, %get3A_194] {strides = array<i32>} : memref<2x32x1024xf32, #tpu.memory_space<vmem>>, vector<1x1x16xf32>,
      %get3A_196 = vector.shape_cast %get3A_195 : vector<1x1x16xf32> to vector<16xf32>
      %get3A_197 = arith.constant 1 : i32
      %get3A_198 = arith.constant 12 : i32
      %get3A_199 = arith.index_cast %get3A_197 : i32 to index
      %get3A_200 = arith.index_cast %get3A_198 : i32 to index
      %get3A_201 = arith.index_cast %mul3A_113 : i32 to index
      %get3A_202 = tpu.vector_load %arg6[%get3A_199, %get3A_200, %get3A_201] {strides = array<i32>} : memref<2x32x1024xf32, #tpu.memory_space<vmem>>, vector<1x1x16xf32>,
      %get3A_203 = vector.shape_cast %get3A_202 : vector<1x1x16xf32> to vector<16xf32>
      %get3A_204 = arith.constant 1 : i32
      %get3A_205 = arith.constant 13 : i32
      %get3A_206 = arith.index_cast %get3A_204 : i32 to index
      %get3A_207 = arith.index_cast %get3A_205 : i32 to index
      %get3A_208 = arith.index_cast %mul3A_113 : i32 to index
      %get3A_209 = tpu.vector_load %arg6[%get3A_206, %get3A_207, %get3A_208] {strides = array<i32>} : memref<2x32x1024xf32, #tpu.memory_space<vmem>>, vector<1x1x16xf32>,
      %get3A_210 = vector.shape_cast %get3A_209 : vector<1x1x16xf32> to vector<16xf32>
      %get3A_211 = arith.constant 1 : i32
      %get3A_212 = arith.constant 14 : i32
      %get3A_213 = arith.index_cast %get3A_211 : i32 to index
      %get3A_214 = arith.index_cast %get3A_212 : i32 to index
      %get3A_215 = arith.index_cast %mul3A_113 : i32 to index
      %get3A_216 = tpu.vector_load %arg6[%get3A_213, %get3A_214, %get3A_215] {strides = array<i32>} : memref<2x32x1024xf32, #tpu.memory_space<vmem>>, vector<1x1x16xf32>,
      %get3A_217 = vector.shape_cast %get3A_216 : vector<1x1x16xf32> to vector<16xf32>
      %get3A_218 = arith.constant 1 : i32
      %get3A_219 = arith.constant 15 : i32
      %get3A_220 = arith.index_cast %get3A_218 : i32 to index
      %get3A_221 = arith.index_cast %get3A_219 : i32 to index
      %get3A_222 = arith.index_cast %mul3A_113 : i32 to index
      %get3A_223 = tpu.vector_load %arg6[%get3A_220, %get3A_221, %get3A_222] {strides = array<i32>} : memref<2x32x1024xf32, #tpu.memory_space<vmem>>, vector<1x1x16xf32>,
      %get3A_224 = vector.shape_cast %get3A_223 : vector<1x1x16xf32> to vector<16xf32>
      %get3A_225 = arith.constant 1 : i32
      %get3A_226 = arith.constant 16 : i32
      %get3A_227 = arith.index_cast %get3A_225 : i32 to index
      %get3A_228 = arith.index_cast %get3A_226 : i32 to index
      %get3A_229 = arith.index_cast %mul3A_113 : i32 to index
      %get3A_230 = tpu.vector_load %arg6[%get3A_227, %get3A_228, %get3A_229] {strides = array<i32>} : memref<2x32x1024xf32, #tpu.memory_space<vmem>>, vector<1x1x16xf32>,
      %get3A_231 = vector.shape_cast %get3A_230 : vector<1x1x16xf32> to vector<16xf32>
      %get3A_232 = arith.constant 1 : i32
      %get3A_233 = arith.constant 17 : i32
      %get3A_234 = arith.index_cast %get3A_232 : i32 to index
      %get3A_235 = arith.index_cast %get3A_233 : i32 to index
      %get3A_236 = arith.index_cast %mul3A_113 : i32 to index
      %get3A_237 = tpu.vector_load %arg6[%get3A_234, %get3A_235, %get3A_236] {strides = array<i32>} : memref<2x32x1024xf32, #tpu.memory_space<vmem>>, vector<1x1x16xf32>,
      %get3A_238 = vector.shape_cast %get3A_237 : vector<1x1x16xf32> to vector<16xf32>
      %get3A_239 = arith.constant 1 : i32
      %get3A_240 = arith.constant 18 : i32
      %get3A_241 = arith.index_cast %get3A_239 : i32 to index
      %get3A_242 = arith.index_cast %get3A_240 : i32 to index
      %get3A_243 = arith.index_cast %mul3A_113 : i32 to index
      %get3A_244 = tpu.vector_load %arg6[%get3A_241, %get3A_242, %get3A_243] {strides = array<i32>} : memref<2x32x1024xf32, #tpu.memory_space<vmem>>, vector<1x1x16xf32>,
      %get3A_245 = vector.shape_cast %get3A_244 : vector<1x1x16xf32> to vector<16xf32>
      %get3A_246 = arith.constant 1 : i32
      %get3A_247 = arith.constant 19 : i32
      %get3A_248 = arith.index_cast %get3A_246 : i32 to index
      %get3A_249 = arith.index_cast %get3A_247 : i32 to index
      %get3A_250 = arith.index_cast %mul3A_113 : i32 to index
      %get3A_251 = tpu.vector_load %arg6[%get3A_248, %get3A_249, %get3A_250] {strides = array<i32>} : memref<2x32x1024xf32, #tpu.memory_space<vmem>>, vector<1x1x16xf32>,
      %get3A_252 = vector.shape_cast %get3A_251 : vector<1x1x16xf32> to vector<16xf32>
      %get3A_253 = arith.constant 1 : i32
      %get3A_254 = arith.constant 20 : i32
      %get3A_255 = arith.index_cast %get3A_253 : i32 to index
      %get3A_256 = arith.index_cast %get3A_254 : i32 to index
      %get3A_257 = arith.index_cast %mul3A_113 : i32 to index
      %get3A_258 = tpu.vector_load %arg6[%get3A_255, %get3A_256, %get3A_257] {strides = array<i32>} : memref<2x32x1024xf32, #tpu.memory_space<vmem>>, vector<1x1x16xf32>,
      %get3A_259 = vector.shape_cast %get3A_258 : vector<1x1x16xf32> to vector<16xf32>
      %get3A_260 = arith.constant 1 : i32
      %get3A_261 = arith.constant 21 : i32
      %get3A_262 = arith.index_cast %get3A_260 : i32 to index
      %get3A_263 = arith.index_cast %get3A_261 : i32 to index
      %get3A_264 = arith.index_cast %mul3A_113 : i32 to index
      %get3A_265 = tpu.vector_load %arg6[%get3A_262, %get3A_263, %get3A_264] {strides = array<i32>} : memref<2x32x1024xf32, #tpu.memory_space<vmem>>, vector<1x1x16xf32>,
      %get3A_266 = vector.shape_cast %get3A_265 : vector<1x1x16xf32> to vector<16xf32>
      %get3A_267 = arith.constant 1 : i32
      %get3A_268 = arith.constant 22 : i32
      %get3A_269 = arith.index_cast %get3A_267 : i32 to index
      %get3A_270 = arith.index_cast %get3A_268 : i32 to index
      %get3A_271 = arith.index_cast %mul3A_113 : i32 to index
      %get3A_272 = tpu.vector_load %arg6[%get3A_269, %get3A_270, %get3A_271] {strides = array<i32>} : memref<2x32x1024xf32, #tpu.memory_space<vmem>>, vector<1x1x16xf32>,
      %get3A_273 = vector.shape_cast %get3A_272 : vector<1x1x16xf32> to vector<16xf32>
      %get3A_274 = arith.constant 1 : i32
      %get3A_275 = arith.constant 23 : i32
      %get3A_276 = arith.index_cast %get3A_274 : i32 to index
      %get3A_277 = arith.index_cast %get3A_275 : i32 to index
      %get3A_278 = arith.index_cast %mul3A_113 : i32 to index
      %get3A_279 = tpu.vector_load %arg6[%get3A_276, %get3A_277, %get3A_278] {strides = array<i32>} : memref<2x32x1024xf32, #tpu.memory_space<vmem>>, vector<1x1x16xf32>,
      %get3A_280 = vector.shape_cast %get3A_279 : vector<1x1x16xf32> to vector<16xf32>
      %get3A_281 = arith.constant 1 : i32
      %get3A_282 = arith.constant 24 : i32
      %get3A_283 = arith.index_cast %get3A_281 : i32 to index
      %get3A_284 = arith.index_cast %get3A_282 : i32 to index
      %get3A_285 = arith.index_cast %mul3A_113 : i32 to index
      %get3A_286 = tpu.vector_load %arg6[%get3A_283, %get3A_284, %get3A_285] {strides = array<i32>} : memref<2x32x1024xf32, #tpu.memory_space<vmem>>, vector<1x1x16xf32>,
      %get3A_287 = vector.shape_cast %get3A_286 : vector<1x1x16xf32> to vector<16xf32>
      %get3A_288 = arith.constant 1 : i32
      %get3A_289 = arith.constant 25 : i32
      %get3A_290 = arith.index_cast %get3A_288 : i32 to index
      %get3A_291 = arith.index_cast %get3A_289 : i32 to index
      %get3A_292 = arith.index_cast %mul3A_113 : i32 to index
      %get3A_293 = tpu.vector_load %arg6[%get3A_290, %get3A_291, %get3A_292] {strides = array<i32>} : memref<2x32x1024xf32, #tpu.memory_space<vmem>>, vector<1x1x16xf32>,
      %get3A_294 = vector.shape_cast %get3A_293 : vector<1x1x16xf32> to vector<16xf32>
      %get3A_295 = arith.constant 1 : i32
      %get3A_296 = arith.constant 26 : i32
      %get3A_297 = arith.index_cast %get3A_295 : i32 to index
      %get3A_298 = arith.index_cast %get3A_296 : i32 to index
      %get3A_299 = arith.index_cast %mul3A_113 : i32 to index
      %get3A_300 = tpu.vector_load %arg6[%get3A_297, %get3A_298, %get3A_299] {strides = array<i32>} : memref<2x32x1024xf32, #tpu.memory_space<vmem>>, vector<1x1x16xf32>,
      %get3A_301 = vector.shape_cast %get3A_300 : vector<1x1x16xf32> to vector<16xf32>
      %get3A_302 = arith.constant 1 : i32
      %get3A_303 = arith.constant 27 : i32
      %get3A_304 = arith.index_cast %get3A_302 : i32 to index
      %get3A_305 = arith.index_cast %get3A_303 : i32 to index
      %get3A_306 = arith.index_cast %mul3A_113 : i32 to index
      %get3A_307 = tpu.vector_load %arg6[%get3A_304, %get3A_305, %get3A_306] {strides = array<i32>} : memref<2x32x1024xf32, #tpu.memory_space<vmem>>, vector<1x1x16xf32>,
      %get3A_308 = vector.shape_cast %get3A_307 : vector<1x1x16xf32> to vector<16xf32>
      %get3A_309 = arith.constant 1 : i32
      %get3A_310 = arith.constant 28 : i32
      %get3A_311 = arith.index_cast %get3A_309 : i32 to index
      %get3A_312 = arith.index_cast %get3A_310 : i32 to index
      %get3A_313 = arith.index_cast %mul3A_113 : i32 to index
      %get3A_314 = tpu.vector_load %arg6[%get3A_311, %get3A_312, %get3A_313] {strides = array<i32>} : memref<2x32x1024xf32, #tpu.memory_space<vmem>>, vector<1x1x16xf32>,
      %get3A_315 = vector.shape_cast %get3A_314 : vector<1x1x16xf32> to vector<16xf32>
      %get3A_316 = arith.constant 1 : i32
      %get3A_317 = arith.constant 29 : i32
      %get3A_318 = arith.index_cast %get3A_316 : i32 to index
      %get3A_319 = arith.index_cast %get3A_317 : i32 to index
      %get3A_320 = arith.index_cast %mul3A_113 : i32 to index
      %get3A_321 = tpu.vector_load %arg6[%get3A_318, %get3A_319, %get3A_320] {strides = array<i32>} : memref<2x32x1024xf32, #tpu.memory_space<vmem>>, vector<1x1x16xf32>,
      %get3A_322 = vector.shape_cast %get3A_321 : vector<1x1x16xf32> to vector<16xf32>
      %get3A_323 = arith.constant 1 : i32
      %get3A_324 = arith.constant 30 : i32
      %get3A_325 = arith.index_cast %get3A_323 : i32 to index
      %get3A_326 = arith.index_cast %get3A_324 : i32 to index
      %get3A_327 = arith.index_cast %mul3A_113 : i32 to index
      %get3A_328 = tpu.vector_load %arg6[%get3A_325, %get3A_326, %get3A_327] {strides = array<i32>} : memref<2x32x1024xf32, #tpu.memory_space<vmem>>, vector<1x1x16xf32>,
      %get3A_329 = vector.shape_cast %get3A_328 : vector<1x1x16xf32> to vector<16xf32>
      %get3A_330 = arith.constant 1 : i32
      %get3A_331 = arith.constant 31 : i32
      %get3A_332 = arith.index_cast %get3A_330 : i32 to index
      %get3A_333 = arith.index_cast %get3A_331 : i32 to index
      %get3A_334 = arith.index_cast %mul3A_113 : i32 to index
      %get3A_335 = tpu.vector_load %arg6[%get3A_332, %get3A_333, %get3A_334] {strides = array<i32>} : memref<2x32x1024xf32, #tpu.memory_space<vmem>>, vector<1x1x16xf32>,
      %get3A_336 = vector.shape_cast %get3A_335 : vector<1x1x16xf32> to vector<16xf32>
      %add3A_337 = arith.addf %get3A_119, %get3A_126 : vector<16xf32>
      %add3A_338 = arith.addf %get3A_133, %get3A_140 : vector<16xf32>
      %add3A_339 = arith.addf %get3A_147, %get3A_154 : vector<16xf32>
      %add3A_340 = arith.addf %get3A_161, %get3A_168 : vector<16xf32>
      %add3A_341 = arith.addf %get3A_175, %get3A_182 : vector<16xf32>
      %add3A_342 = arith.addf %get3A_189, %get3A_196 : vector<16xf32>
      %add3A_343 = arith.addf %get3A_203, %get3A_210 : vector<16xf32>
      %add3A_344 = arith.addf %get3A_217, %get3A_224 : vector<16xf32>
      %add3A_345 = arith.addf %get3A_231, %get3A_238 : vector<16xf32>
      %add3A_346 = arith.addf %get3A_245, %get3A_252 : vector<16xf32>
      %add3A_347 = arith.addf %get3A_259, %get3A_266 : vector<16xf32>
      %add3A_348 = arith.addf %get3A_273, %get3A_280 : vector<16xf32>
      %add3A_349 = arith.addf %get3A_287, %get3A_294 : vector<16xf32>
      %add3A_350 = arith.addf %get3A_301, %get3A_308 : vector<16xf32>
      %add3A_351 = arith.addf %get3A_315, %get3A_322 : vector<16xf32>
      %add3A_352 = arith.addf %get3A_329, %get3A_336 : vector<16xf32>
      %add3A_353 = arith.addf %add3A_337, %add3A_338 : vector<16xf32>
      %add3A_354 = arith.addf %add3A_339, %add3A_340 : vector<16xf32>
      %add3A_355 = arith.addf %add3A_341, %add3A_342 : vector<16xf32>
      %add3A_356 = arith.addf %add3A_343, %add3A_344 : vector<16xf32>
      %add3A_357 = arith.addf %add3A_345, %add3A_346 : vector<16xf32>
      %add3A_358 = arith.addf %add3A_347, %add3A_348 : vector<16xf32>
      %add3A_359 = arith.addf %add3A_349, %add3A_350 : vector<16xf32>
      %add3A_360 = arith.addf %add3A_351, %add3A_352 : vector<16xf32>
      %add3A_361 = arith.addf %add3A_353, %add3A_354 : vector<16xf32>
      %add3A_362 = arith.addf %add3A_355, %add3A_356 : vector<16xf32>
      %add3A_363 = arith.addf %add3A_357, %add3A_358 : vector<16xf32>
      %add3A_364 = arith.addf %add3A_359, %add3A_360 : vector<16xf32>
      %add3A_365 = arith.addf %add3A_361, %add3A_362 : vector<16xf32>
      %add3A_366 = arith.addf %add3A_363, %add3A_364 : vector<16xf32>
      %add3A_367 = arith.addf %add3A_365, %add3A_366 : vector<16xf32>
      %mul3A_368 = arith.constant 3.125000e-02 : f32
      %mul3A_369 = vector.broadcast %mul3A_368 : f32 to vector<16xf32>
      %mul3A_370 = arith.mulf %add3A_367, %mul3A_369 : vector<16xf32>
      %swap3A = arith.constant 1 : i32
      %swap3A_371 = arith.index_cast %swap3A : i32 to index
      %swap3A_372 = arith.index_cast %mul3A_113 : i32 to index
      %swap3A_373 = tpu.vector_load %arg7[%swap3A_371, %swap3A_372] {strides = array<i32>} : memref<4x1024xf32, #tpu.memory_space<vmem>>, vector<1x16xf32>,
      %swap3A_374 = vector.shape_cast %swap3A_373 : vector<1x16xf32> to vector<16xf32>
      %swap3A_375 = vector.shape_cast %mul3A_370 : vector<16xf32> to vector<1x16xf32>
      tpu.vector_store %arg7[%swap3A_371, %swap3A_372], %swap3A_375 {strides = array<i32>} : memref<4x1024xf32, #tpu.memory_space<vmem>>, vector<1x16xf32>,
      %scan3A_376 = arith.constant 0 : i32
      scf.yield %scan3A_376 : i32
    }
    %scan3A_65 = arith.constant 64 : i32
    %dma_start3A_66 = arith.constant 1 : i32
    %dma_start3A_67 = arith.constant 0 : i32
    %dma_start3A_68 = arith.constant 0 : i32
    %dma_start3A_69 = tpu.memref_slice %arg6[%dma_start3A_66, %dma_start3A_67, %dma_start3A_68] : memref<2x32x1024xf32, #tpu.memory_space<vmem>> -> memref<1x32x1024xf32, #tpu.memory_space<vmem>>
    %dma_start3A_70 = tpu.memref_squeeze %dma_start3A_69 : memref<1x32x1024xf32, #tpu.memory_space<vmem>> -> memref<32x1024xf32, #tpu.memory_space<vmem>>
    %dma_start3A_71 = arith.constant 96 : i32
    %dma_start3A_72 = tpu.memref_slice %arg5[%dma_start3A_71] : memref<128xi32, #tpu.memory_space<vmem>> -> memref<32xi32, #tpu.memory_space<vmem>>
    %dma_start3A_73 = arith.constant 0 : i32
    %dma_start3A_74 = arith.constant 0 : i32
    %dma_start3A_75 = tpu.memref_slice %arg3[%dma_start3A_73, %dma_start3A_74] : memref<100000x1024xf32, #tpu.memory_space<hbm>> -> memref<100000x1024xf32, #tpu.memory_space<hbm>>
    tpu.enqueue_indirect_dma source(%dma_start3A_75 : memref<100000x1024xf32, #tpu.memory_space<hbm>>) target(%dma_start3A_70 : memref<32x1024xf32, #tpu.memory_space<vmem>>) offsets(%dma_start3A_72 : memref<32xi32, #tpu.memory_space<vmem>>) semaphore(%arg9 : memref<!tpu.dma_semaphore, #tpu.memory_space<semaphore_mem>>)
    %dma_wait3A_76 = arith.constant 0 : i32
    %dma_wait3A_77 = arith.constant 0 : i32
    %dma_wait3A_78 = arith.constant 0 : i32
    %dma_wait3A_79 = tpu.memref_slice %arg6[%dma_wait3A_76, %dma_wait3A_77, %dma_wait3A_78] : memref<2x32x1024xf32, #tpu.memory_space<vmem>> -> memref<1x32x1024xf32, #tpu.memory_space<vmem>>
    %dma_wait3A_80 = tpu.memref_squeeze %dma_wait3A_79 : memref<1x32x1024xf32, #tpu.memory_space<vmem>> -> memref<32x1024xf32, #tpu.memory_space<vmem>>
    %dma_wait3A_81 = arith.constant 64 : i32
    %dma_wait3A_82 = tpu.memref_slice %arg5[%dma_wait3A_81] : memref<128xi32, #tpu.memory_space<vmem>> -> memref<32xi32, #tpu.memory_space<vmem>>
    %dma_wait3A_83 = arith.constant 0 : i32
    %dma_wait3A_84 = arith.constant 0 : i32
    %dma_wait3A_85 = tpu.memref_slice %arg3[%dma_wait3A_83, %dma_wait3A_84] : memref<100000x1024xf32, #tpu.memory_space<hbm>> -> memref<100000x1024xf32, #tpu.memory_space<hbm>>
    tpu.wait_indirect_dma semaphore(%arg8 : memref<!tpu.dma_semaphore, #tpu.memory_space<semaphore_mem>>) src(%dma_wait3A_85 : memref<100000x1024xf32, #tpu.memory_space<hbm>>) dst(%dma_wait3A_80 : memref<32x1024xf32, #tpu.memory_space<vmem>>)
    %scan3A_86 = arith.constant 0 : i32
    %scan3A_87 = arith.constant 0 : i32
    %scan3A_88 = arith.constant 64 : i32
    %scan3A_89 = arith.addi %scan3A_87, %scan3A_88 : i32
    %scan3A_90 = arith.constant 1 : i32
    %scan3A_91 = scf.for %scan3A_110 = %scan3A_87 to %scan3A_89 step %scan3A_90 iter_args(%scan3A_111 = %scan3A_86) -> (i32)  : i32 {
      %mul3A_112 = arith.constant 16 : i32
      %mul3A_113 = arith.muli %scan3A_110, %mul3A_112 : i32
      %get3A = arith.constant 0 : i32
      %get3A_114 = arith.constant 0 : i32
      %get3A_115 = arith.index_cast %get3A : i32 to index
      %get3A_116 = arith.index_cast %get3A_114 : i32 to index
      %get3A_117 = arith.index_cast %mul3A_113 : i32 to index
      %get3A_118 = tpu.vector_load %arg6[%get3A_115, %get3A_116, %get3A_117] {strides = array<i32>} : memref<2x32x1024xf32, #tpu.memory_space<vmem>>, vector<1x1x16xf32>,
      %get3A_119 = vector.shape_cast %get3A_118 : vector<1x1x16xf32> to vector<16xf32>
      %get3A_120 = arith.constant 0 : i32
      %get3A_121 = arith.constant 1 : i32
      %get3A_122 = arith.index_cast %get3A_120 : i32 to index
      %get3A_123 = arith.index_cast %get3A_121 : i32 to index
      %get3A_124 = arith.index_cast %mul3A_113 : i32 to index
      %get3A_125 = tpu.vector_load %arg6[%get3A_122, %get3A_123, %get3A_124] {strides = array<i32>} : memref<2x32x1024xf32, #tpu.memory_space<vmem>>, vector<1x1x16xf32>,
      %get3A_126 = vector.shape_cast %get3A_125 : vector<1x1x16xf32> to vector<16xf32>
      %get3A_127 = arith.constant 0 : i32
      %get3A_128 = arith.constant 2 : i32
      %get3A_129 = arith.index_cast %get3A_127 : i32 to index
      %get3A_130 = arith.index_cast %get3A_128 : i32 to index
      %get3A_131 = arith.index_cast %mul3A_113 : i32 to index
      %get3A_132 = tpu.vector_load %arg6[%get3A_129, %get3A_130, %get3A_131] {strides = array<i32>} : memref<2x32x1024xf32, #tpu.memory_space<vmem>>, vector<1x1x16xf32>,
      %get3A_133 = vector.shape_cast %get3A_132 : vector<1x1x16xf32> to vector<16xf32>
      %get3A_134 = arith.constant 0 : i32
      %get3A_135 = arith.constant 3 : i32
      %get3A_136 = arith.index_cast %get3A_134 : i32 to index
      %get3A_137 = arith.index_cast %get3A_135 : i32 to index
      %get3A_138 = arith.index_cast %mul3A_113 : i32 to index
      %get3A_139 = tpu.vector_load %arg6[%get3A_136, %get3A_137, %get3A_138] {strides = array<i32>} : memref<2x32x1024xf32, #tpu.memory_space<vmem>>, vector<1x1x16xf32>,
      %get3A_140 = vector.shape_cast %get3A_139 : vector<1x1x16xf32> to vector<16xf32>
      %get3A_141 = arith.constant 0 : i32
      %get3A_142 = arith.constant 4 : i32
      %get3A_143 = arith.index_cast %get3A_141 : i32 to index
      %get3A_144 = arith.index_cast %get3A_142 : i32 to index
      %get3A_145 = arith.index_cast %mul3A_113 : i32 to index
      %get3A_146 = tpu.vector_load %arg6[%get3A_143, %get3A_144, %get3A_145] {strides = array<i32>} : memref<2x32x1024xf32, #tpu.memory_space<vmem>>, vector<1x1x16xf32>,
      %get3A_147 = vector.shape_cast %get3A_146 : vector<1x1x16xf32> to vector<16xf32>
      %get3A_148 = arith.constant 0 : i32
      %get3A_149 = arith.constant 5 : i32
      %get3A_150 = arith.index_cast %get3A_148 : i32 to index
      %get3A_151 = arith.index_cast %get3A_149 : i32 to index
      %get3A_152 = arith.index_cast %mul3A_113 : i32 to index
      %get3A_153 = tpu.vector_load %arg6[%get3A_150, %get3A_151, %get3A_152] {strides = array<i32>} : memref<2x32x1024xf32, #tpu.memory_space<vmem>>, vector<1x1x16xf32>,
      %get3A_154 = vector.shape_cast %get3A_153 : vector<1x1x16xf32> to vector<16xf32>
      %get3A_155 = arith.constant 0 : i32
      %get3A_156 = arith.constant 6 : i32
      %get3A_157 = arith.index_cast %get3A_155 : i32 to index
      %get3A_158 = arith.index_cast %get3A_156 : i32 to index
      %get3A_159 = arith.index_cast %mul3A_113 : i32 to index
      %get3A_160 = tpu.vector_load %arg6[%get3A_157, %get3A_158, %get3A_159] {strides = array<i32>} : memref<2x32x1024xf32, #tpu.memory_space<vmem>>, vector<1x1x16xf32>,
      %get3A_161 = vector.shape_cast %get3A_160 : vector<1x1x16xf32> to vector<16xf32>
      %get3A_162 = arith.constant 0 : i32
      %get3A_163 = arith.constant 7 : i32
      %get3A_164 = arith.index_cast %get3A_162 : i32 to index
      %get3A_165 = arith.index_cast %get3A_163 : i32 to index
      %get3A_166 = arith.index_cast %mul3A_113 : i32 to index
      %get3A_167 = tpu.vector_load %arg6[%get3A_164, %get3A_165, %get3A_166] {strides = array<i32>} : memref<2x32x1024xf32, #tpu.memory_space<vmem>>, vector<1x1x16xf32>,
      %get3A_168 = vector.shape_cast %get3A_167 : vector<1x1x16xf32> to vector<16xf32>
      %get3A_169 = arith.constant 0 : i32
      %get3A_170 = arith.constant 8 : i32
      %get3A_171 = arith.index_cast %get3A_169 : i32 to index
      %get3A_172 = arith.index_cast %get3A_170 : i32 to index
      %get3A_173 = arith.index_cast %mul3A_113 : i32 to index
      %get3A_174 = tpu.vector_load %arg6[%get3A_171, %get3A_172, %get3A_173] {strides = array<i32>} : memref<2x32x1024xf32, #tpu.memory_space<vmem>>, vector<1x1x16xf32>,
      %get3A_175 = vector.shape_cast %get3A_174 : vector<1x1x16xf32> to vector<16xf32>
      %get3A_176 = arith.constant 0 : i32
      %get3A_177 = arith.constant 9 : i32
      %get3A_178 = arith.index_cast %get3A_176 : i32 to index
      %get3A_179 = arith.index_cast %get3A_177 : i32 to index
      %get3A_180 = arith.index_cast %mul3A_113 : i32 to index
      %get3A_181 = tpu.vector_load %arg6[%get3A_178, %get3A_179, %get3A_180] {strides = array<i32>} : memref<2x32x1024xf32, #tpu.memory_space<vmem>>, vector<1x1x16xf32>,
      %get3A_182 = vector.shape_cast %get3A_181 : vector<1x1x16xf32> to vector<16xf32>
      %get3A_183 = arith.constant 0 : i32
      %get3A_184 = arith.constant 10 : i32
      %get3A_185 = arith.index_cast %get3A_183 : i32 to index
      %get3A_186 = arith.index_cast %get3A_184 : i32 to index
      %get3A_187 = arith.index_cast %mul3A_113 : i32 to index
      %get3A_188 = tpu.vector_load %arg6[%get3A_185, %get3A_186, %get3A_187] {strides = array<i32>} : memref<2x32x1024xf32, #tpu.memory_space<vmem>>, vector<1x1x16xf32>,
      %get3A_189 = vector.shape_cast %get3A_188 : vector<1x1x16xf32> to vector<16xf32>
      %get3A_190 = arith.constant 0 : i32
      %get3A_191 = arith.constant 11 : i32
      %get3A_192 = arith.index_cast %get3A_190 : i32 to index
      %get3A_193 = arith.index_cast %get3A_191 : i32 to index
      %get3A_194 = arith.index_cast %mul3A_113 : i32 to index
      %get3A_195 = tpu.vector_load %arg6[%get3A_192, %get3A_193, %get3A_194] {strides = array<i32>} : memref<2x32x1024xf32, #tpu.memory_space<vmem>>, vector<1x1x16xf32>,
      %get3A_196 = vector.shape_cast %get3A_195 : vector<1x1x16xf32> to vector<16xf32>
      %get3A_197 = arith.constant 0 : i32
      %get3A_198 = arith.constant 12 : i32
      %get3A_199 = arith.index_cast %get3A_197 : i32 to index
      %get3A_200 = arith.index_cast %get3A_198 : i32 to index
      %get3A_201 = arith.index_cast %mul3A_113 : i32 to index
      %get3A_202 = tpu.vector_load %arg6[%get3A_199, %get3A_200, %get3A_201] {strides = array<i32>} : memref<2x32x1024xf32, #tpu.memory_space<vmem>>, vector<1x1x16xf32>,
      %get3A_203 = vector.shape_cast %get3A_202 : vector<1x1x16xf32> to vector<16xf32>
      %get3A_204 = arith.constant 0 : i32
      %get3A_205 = arith.constant 13 : i32
      %get3A_206 = arith.index_cast %get3A_204 : i32 to index
      %get3A_207 = arith.index_cast %get3A_205 : i32 to index
      %get3A_208 = arith.index_cast %mul3A_113 : i32 to index
      %get3A_209 = tpu.vector_load %arg6[%get3A_206, %get3A_207, %get3A_208] {strides = array<i32>} : memref<2x32x1024xf32, #tpu.memory_space<vmem>>, vector<1x1x16xf32>,
      %get3A_210 = vector.shape_cast %get3A_209 : vector<1x1x16xf32> to vector<16xf32>
      %get3A_211 = arith.constant 0 : i32
      %get3A_212 = arith.constant 14 : i32
      %get3A_213 = arith.index_cast %get3A_211 : i32 to index
      %get3A_214 = arith.index_cast %get3A_212 : i32 to index
      %get3A_215 = arith.index_cast %mul3A_113 : i32 to index
      %get3A_216 = tpu.vector_load %arg6[%get3A_213, %get3A_214, %get3A_215] {strides = array<i32>} : memref<2x32x1024xf32, #tpu.memory_space<vmem>>, vector<1x1x16xf32>,
      %get3A_217 = vector.shape_cast %get3A_216 : vector<1x1x16xf32> to vector<16xf32>
      %get3A_218 = arith.constant 0 : i32
      %get3A_219 = arith.constant 15 : i32
      %get3A_220 = arith.index_cast %get3A_218 : i32 to index
      %get3A_221 = arith.index_cast %get3A_219 : i32 to index
      %get3A_222 = arith.index_cast %mul3A_113 : i32 to index
      %get3A_223 = tpu.vector_load %arg6[%get3A_220, %get3A_221, %get3A_222] {strides = array<i32>} : memref<2x32x1024xf32, #tpu.memory_space<vmem>>, vector<1x1x16xf32>,
      %get3A_224 = vector.shape_cast %get3A_223 : vector<1x1x16xf32> to vector<16xf32>
      %get3A_225 = arith.constant 0 : i32
      %get3A_226 = arith.constant 16 : i32
      %get3A_227 = arith.index_cast %get3A_225 : i32 to index
      %get3A_228 = arith.index_cast %get3A_226 : i32 to index
      %get3A_229 = arith.index_cast %mul3A_113 : i32 to index
      %get3A_230 = tpu.vector_load %arg6[%get3A_227, %get3A_228, %get3A_229] {strides = array<i32>} : memref<2x32x1024xf32, #tpu.memory_space<vmem>>, vector<1x1x16xf32>,
      %get3A_231 = vector.shape_cast %get3A_230 : vector<1x1x16xf32> to vector<16xf32>
      %get3A_232 = arith.constant 0 : i32
      %get3A_233 = arith.constant 17 : i32
      %get3A_234 = arith.index_cast %get3A_232 : i32 to index
      %get3A_235 = arith.index_cast %get3A_233 : i32 to index
      %get3A_236 = arith.index_cast %mul3A_113 : i32 to index
      %get3A_237 = tpu.vector_load %arg6[%get3A_234, %get3A_235, %get3A_236] {strides = array<i32>} : memref<2x32x1024xf32, #tpu.memory_space<vmem>>, vector<1x1x16xf32>,
      %get3A_238 = vector.shape_cast %get3A_237 : vector<1x1x16xf32> to vector<16xf32>
      %get3A_239 = arith.constant 0 : i32
      %get3A_240 = arith.constant 18 : i32
      %get3A_241 = arith.index_cast %get3A_239 : i32 to index
      %get3A_242 = arith.index_cast %get3A_240 : i32 to index
      %get3A_243 = arith.index_cast %mul3A_113 : i32 to index
      %get3A_244 = tpu.vector_load %arg6[%get3A_241, %get3A_242, %get3A_243] {strides = array<i32>} : memref<2x32x1024xf32, #tpu.memory_space<vmem>>, vector<1x1x16xf32>,
      %get3A_245 = vector.shape_cast %get3A_244 : vector<1x1x16xf32> to vector<16xf32>
      %get3A_246 = arith.constant 0 : i32
      %get3A_247 = arith.constant 19 : i32
      %get3A_248 = arith.index_cast %get3A_246 : i32 to index
      %get3A_249 = arith.index_cast %get3A_247 : i32 to index
      %get3A_250 = arith.index_cast %mul3A_113 : i32 to index
      %get3A_251 = tpu.vector_load %arg6[%get3A_248, %get3A_249, %get3A_250] {strides = array<i32>} : memref<2x32x1024xf32, #tpu.memory_space<vmem>>, vector<1x1x16xf32>,
      %get3A_252 = vector.shape_cast %get3A_251 : vector<1x1x16xf32> to vector<16xf32>
      %get3A_253 = arith.constant 0 : i32
      %get3A_254 = arith.constant 20 : i32
      %get3A_255 = arith.index_cast %get3A_253 : i32 to index
      %get3A_256 = arith.index_cast %get3A_254 : i32 to index
      %get3A_257 = arith.index_cast %mul3A_113 : i32 to index
      %get3A_258 = tpu.vector_load %arg6[%get3A_255, %get3A_256, %get3A_257] {strides = array<i32>} : memref<2x32x1024xf32, #tpu.memory_space<vmem>>, vector<1x1x16xf32>,
      %get3A_259 = vector.shape_cast %get3A_258 : vector<1x1x16xf32> to vector<16xf32>
      %get3A_260 = arith.constant 0 : i32
      %get3A_261 = arith.constant 21 : i32
      %get3A_262 = arith.index_cast %get3A_260 : i32 to index
      %get3A_263 = arith.index_cast %get3A_261 : i32 to index
      %get3A_264 = arith.index_cast %mul3A_113 : i32 to index
      %get3A_265 = tpu.vector_load %arg6[%get3A_262, %get3A_263, %get3A_264] {strides = array<i32>} : memref<2x32x1024xf32, #tpu.memory_space<vmem>>, vector<1x1x16xf32>,
      %get3A_266 = vector.shape_cast %get3A_265 : vector<1x1x16xf32> to vector<16xf32>
      %get3A_267 = arith.constant 0 : i32
      %get3A_268 = arith.constant 22 : i32
      %get3A_269 = arith.index_cast %get3A_267 : i32 to index
      %get3A_270 = arith.index_cast %get3A_268 : i32 to index
      %get3A_271 = arith.index_cast %mul3A_113 : i32 to index
      %get3A_272 = tpu.vector_load %arg6[%get3A_269, %get3A_270, %get3A_271] {strides = array<i32>} : memref<2x32x1024xf32, #tpu.memory_space<vmem>>, vector<1x1x16xf32>,
      %get3A_273 = vector.shape_cast %get3A_272 : vector<1x1x16xf32> to vector<16xf32>
      %get3A_274 = arith.constant 0 : i32
      %get3A_275 = arith.constant 23 : i32
      %get3A_276 = arith.index_cast %get3A_274 : i32 to index
      %get3A_277 = arith.index_cast %get3A_275 : i32 to index
      %get3A_278 = arith.index_cast %mul3A_113 : i32 to index
      %get3A_279 = tpu.vector_load %arg6[%get3A_276, %get3A_277, %get3A_278] {strides = array<i32>} : memref<2x32x1024xf32, #tpu.memory_space<vmem>>, vector<1x1x16xf32>,
      %get3A_280 = vector.shape_cast %get3A_279 : vector<1x1x16xf32> to vector<16xf32>
      %get3A_281 = arith.constant 0 : i32
      %get3A_282 = arith.constant 24 : i32
      %get3A_283 = arith.index_cast %get3A_281 : i32 to index
      %get3A_284 = arith.index_cast %get3A_282 : i32 to index
      %get3A_285 = arith.index_cast %mul3A_113 : i32 to index
      %get3A_286 = tpu.vector_load %arg6[%get3A_283, %get3A_284, %get3A_285] {strides = array<i32>} : memref<2x32x1024xf32, #tpu.memory_space<vmem>>, vector<1x1x16xf32>,
      %get3A_287 = vector.shape_cast %get3A_286 : vector<1x1x16xf32> to vector<16xf32>
      %get3A_288 = arith.constant 0 : i32
      %get3A_289 = arith.constant 25 : i32
      %get3A_290 = arith.index_cast %get3A_288 : i32 to index
      %get3A_291 = arith.index_cast %get3A_289 : i32 to index
      %get3A_292 = arith.index_cast %mul3A_113 : i32 to index
      %get3A_293 = tpu.vector_load %arg6[%get3A_290, %get3A_291, %get3A_292] {strides = array<i32>} : memref<2x32x1024xf32, #tpu.memory_space<vmem>>, vector<1x1x16xf32>,
      %get3A_294 = vector.shape_cast %get3A_293 : vector<1x1x16xf32> to vector<16xf32>
      %get3A_295 = arith.constant 0 : i32
      %get3A_296 = arith.constant 26 : i32
      %get3A_297 = arith.index_cast %get3A_295 : i32 to index
      %get3A_298 = arith.index_cast %get3A_296 : i32 to index
      %get3A_299 = arith.index_cast %mul3A_113 : i32 to index
      %get3A_300 = tpu.vector_load %arg6[%get3A_297, %get3A_298, %get3A_299] {strides = array<i32>} : memref<2x32x1024xf32, #tpu.memory_space<vmem>>, vector<1x1x16xf32>,
      %get3A_301 = vector.shape_cast %get3A_300 : vector<1x1x16xf32> to vector<16xf32>
      %get3A_302 = arith.constant 0 : i32
      %get3A_303 = arith.constant 27 : i32
      %get3A_304 = arith.index_cast %get3A_302 : i32 to index
      %get3A_305 = arith.index_cast %get3A_303 : i32 to index
      %get3A_306 = arith.index_cast %mul3A_113 : i32 to index
      %get3A_307 = tpu.vector_load %arg6[%get3A_304, %get3A_305, %get3A_306] {strides = array<i32>} : memref<2x32x1024xf32, #tpu.memory_space<vmem>>, vector<1x1x16xf32>,
      %get3A_308 = vector.shape_cast %get3A_307 : vector<1x1x16xf32> to vector<16xf32>
      %get3A_309 = arith.constant 0 : i32
      %get3A_310 = arith.constant 28 : i32
      %get3A_311 = arith.index_cast %get3A_309 : i32 to index
      %get3A_312 = arith.index_cast %get3A_310 : i32 to index
      %get3A_313 = arith.index_cast %mul3A_113 : i32 to index
      %get3A_314 = tpu.vector_load %arg6[%get3A_311, %get3A_312, %get3A_313] {strides = array<i32>} : memref<2x32x1024xf32, #tpu.memory_space<vmem>>, vector<1x1x16xf32>,
      %get3A_315 = vector.shape_cast %get3A_314 : vector<1x1x16xf32> to vector<16xf32>
      %get3A_316 = arith.constant 0 : i32
      %get3A_317 = arith.constant 29 : i32
      %get3A_318 = arith.index_cast %get3A_316 : i32 to index
      %get3A_319 = arith.index_cast %get3A_317 : i32 to index
      %get3A_320 = arith.index_cast %mul3A_113 : i32 to index
      %get3A_321 = tpu.vector_load %arg6[%get3A_318, %get3A_319, %get3A_320] {strides = array<i32>} : memref<2x32x1024xf32, #tpu.memory_space<vmem>>, vector<1x1x16xf32>,
      %get3A_322 = vector.shape_cast %get3A_321 : vector<1x1x16xf32> to vector<16xf32>
      %get3A_323 = arith.constant 0 : i32
      %get3A_324 = arith.constant 30 : i32
      %get3A_325 = arith.index_cast %get3A_323 : i32 to index
      %get3A_326 = arith.index_cast %get3A_324 : i32 to index
      %get3A_327 = arith.index_cast %mul3A_113 : i32 to index
      %get3A_328 = tpu.vector_load %arg6[%get3A_325, %get3A_326, %get3A_327] {strides = array<i32>} : memref<2x32x1024xf32, #tpu.memory_space<vmem>>, vector<1x1x16xf32>,
      %get3A_329 = vector.shape_cast %get3A_328 : vector<1x1x16xf32> to vector<16xf32>
      %get3A_330 = arith.constant 0 : i32
      %get3A_331 = arith.constant 31 : i32
      %get3A_332 = arith.index_cast %get3A_330 : i32 to index
      %get3A_333 = arith.index_cast %get3A_331 : i32 to index
      %get3A_334 = arith.index_cast %mul3A_113 : i32 to index
      %get3A_335 = tpu.vector_load %arg6[%get3A_332, %get3A_333, %get3A_334] {strides = array<i32>} : memref<2x32x1024xf32, #tpu.memory_space<vmem>>, vector<1x1x16xf32>,
      %get3A_336 = vector.shape_cast %get3A_335 : vector<1x1x16xf32> to vector<16xf32>
      %add3A_337 = arith.addf %get3A_119, %get3A_126 : vector<16xf32>
      %add3A_338 = arith.addf %get3A_133, %get3A_140 : vector<16xf32>
      %add3A_339 = arith.addf %get3A_147, %get3A_154 : vector<16xf32>
      %add3A_340 = arith.addf %get3A_161, %get3A_168 : vector<16xf32>
      %add3A_341 = arith.addf %get3A_175, %get3A_182 : vector<16xf32>
      %add3A_342 = arith.addf %get3A_189, %get3A_196 : vector<16xf32>
      %add3A_343 = arith.addf %get3A_203, %get3A_210 : vector<16xf32>
      %add3A_344 = arith.addf %get3A_217, %get3A_224 : vector<16xf32>
      %add3A_345 = arith.addf %get3A_231, %get3A_238 : vector<16xf32>
      %add3A_346 = arith.addf %get3A_245, %get3A_252 : vector<16xf32>
      %add3A_347 = arith.addf %get3A_259, %get3A_266 : vector<16xf32>
      %add3A_348 = arith.addf %get3A_273, %get3A_280 : vector<16xf32>
      %add3A_349 = arith.addf %get3A_287, %get3A_294 : vector<16xf32>
      %add3A_350 = arith.addf %get3A_301, %get3A_308 : vector<16xf32>
      %add3A_351 = arith.addf %get3A_315, %get3A_322 : vector<16xf32>
      %add3A_352 = arith.addf %get3A_329, %get3A_336 : vector<16xf32>
      %add3A_353 = arith.addf %add3A_337, %add3A_338 : vector<16xf32>
      %add3A_354 = arith.addf %add3A_339, %add3A_340 : vector<16xf32>
      %add3A_355 = arith.addf %add3A_341, %add3A_342 : vector<16xf32>
      %add3A_356 = arith.addf %add3A_343, %add3A_344 : vector<16xf32>
      %add3A_357 = arith.addf %add3A_345, %add3A_346 : vector<16xf32>
      %add3A_358 = arith.addf %add3A_347, %add3A_348 : vector<16xf32>
      %add3A_359 = arith.addf %add3A_349, %add3A_350 : vector<16xf32>
      %add3A_360 = arith.addf %add3A_351, %add3A_352 : vector<16xf32>
      %add3A_361 = arith.addf %add3A_353, %add3A_354 : vector<16xf32>
      %add3A_362 = arith.addf %add3A_355, %add3A_356 : vector<16xf32>
      %add3A_363 = arith.addf %add3A_357, %add3A_358 : vector<16xf32>
      %add3A_364 = arith.addf %add3A_359, %add3A_360 : vector<16xf32>
      %add3A_365 = arith.addf %add3A_361, %add3A_362 : vector<16xf32>
      %add3A_366 = arith.addf %add3A_363, %add3A_364 : vector<16xf32>
      %add3A_367 = arith.addf %add3A_365, %add3A_366 : vector<16xf32>
      %mul3A_368 = arith.constant 3.125000e-02 : f32
      %mul3A_369 = vector.broadcast %mul3A_368 : f32 to vector<16xf32>
      %mul3A_370 = arith.mulf %add3A_367, %mul3A_369 : vector<16xf32>
      %swap3A = arith.constant 2 : i32
      %swap3A_371 = arith.index_cast %swap3A : i32 to index
      %swap3A_372 = arith.index_cast %mul3A_113 : i32 to index
      %swap3A_373 = tpu.vector_load %arg7[%swap3A_371, %swap3A_372] {strides = array<i32>} : memref<4x1024xf32, #tpu.memory_space<vmem>>, vector<1x16xf32>,
      %swap3A_374 = vector.shape_cast %swap3A_373 : vector<1x16xf32> to vector<16xf32>
      %swap3A_375 = vector.shape_cast %mul3A_370 : vector<16xf32> to vector<1x16xf32>
      tpu.vector_store %arg7[%swap3A_371, %swap3A_372], %swap3A_375 {strides = array<i32>} : memref<4x1024xf32, #tpu.memory_space<vmem>>, vector<1x16xf32>,
      %scan3A_376 = arith.constant 0 : i32
      scf.yield %scan3A_376 : i32
    }
    %scan3A_92 = arith.constant 64 : i32
    %dma_wait3A_93 = arith.constant 1 : i32
    %dma_wait3A_94 = arith.constant 0 : i32
    %dma_wait3A_95 = arith.constant 0 : i32
    %dma_wait3A_96 = tpu.memref_slice %arg6[%dma_wait3A_93, %dma_wait3A_94, %dma_wait3A_95] : memref<2x32x1024xf32, #tpu.memory_space<vmem>> -> memref<1x32x1024xf32, #tpu.memory_space<vmem>>
    %dma_wait3A_97 = tpu.memref_squeeze %dma_wait3A_96 : memref<1x32x1024xf32, #tpu.memory_space<vmem>> -> memref<32x1024xf32, #tpu.memory_space<vmem>>
    %dma_wait3A_98 = arith.constant 96 : i32
    %dma_wait3A_99 = tpu.memref_slice %arg5[%dma_wait3A_98] : memref<128xi32, #tpu.memory_space<vmem>> -> memref<32xi32, #tpu.memory_space<vmem>>
    %dma_wait3A_100 = arith.constant 0 : i32
    %dma_wait3A_101 = arith.constant 0 : i32
    %dma_wait3A_102 = tpu.memref_slice %arg3[%dma_wait3A_100, %dma_wait3A_101] : memref<100000x1024xf32, #tpu.memory_space<hbm>> -> memref<100000x1024xf32, #tpu.memory_space<hbm>>
    tpu.wait_indirect_dma semaphore(%arg9 : memref<!tpu.dma_semaphore, #tpu.memory_space<semaphore_mem>>) src(%dma_wait3A_102 : memref<100000x1024xf32, #tpu.memory_space<hbm>>) dst(%dma_wait3A_97 : memref<32x1024xf32, #tpu.memory_space<vmem>>)
    %scan3A_103 = arith.constant 0 : i32
    %scan3A_104 = arith.constant 0 : i32
    %scan3A_105 = arith.constant 64 : i32
    %scan3A_106 = arith.addi %scan3A_104, %scan3A_105 : i32
    %scan3A_107 = arith.constant 1 : i32
    %scan3A_108 = scf.for %scan3A_110 = %scan3A_104 to %scan3A_106 step %scan3A_107 iter_args(%scan3A_111 = %scan3A_103) -> (i32)  : i32 {
      %mul3A_112 = arith.constant 16 : i32
      %mul3A_113 = arith.muli %scan3A_110, %mul3A_112 : i32
      %get3A = arith.constant 1 : i32
      %get3A_114 = arith.constant 0 : i32
      %get3A_115 = arith.index_cast %get3A : i32 to index
      %get3A_116 = arith.index_cast %get3A_114 : i32 to index
      %get3A_117 = arith.index_cast %mul3A_113 : i32 to index
      %get3A_118 = tpu.vector_load %arg6[%get3A_115, %get3A_116, %get3A_117] {strides = array<i32>} : memref<2x32x1024xf32, #tpu.memory_space<vmem>>, vector<1x1x16xf32>,
      %get3A_119 = vector.shape_cast %get3A_118 : vector<1x1x16xf32> to vector<16xf32>
      %get3A_120 = arith.constant 1 : i32
      %get3A_121 = arith.constant 1 : i32
      %get3A_122 = arith.index_cast %get3A_120 : i32 to index
      %get3A_123 = arith.index_cast %get3A_121 : i32 to index
      %get3A_124 = arith.index_cast %mul3A_113 : i32 to index
      %get3A_125 = tpu.vector_load %arg6[%get3A_122, %get3A_123, %get3A_124] {strides = array<i32>} : memref<2x32x1024xf32, #tpu.memory_space<vmem>>, vector<1x1x16xf32>,
      %get3A_126 = vector.shape_cast %get3A_125 : vector<1x1x16xf32> to vector<16xf32>
      %get3A_127 = arith.constant 1 : i32
      %get3A_128 = arith.constant 2 : i32
      %get3A_129 = arith.index_cast %get3A_127 : i32 to index
      %get3A_130 = arith.index_cast %get3A_128 : i32 to index
      %get3A_131 = arith.index_cast %mul3A_113 : i32 to index
      %get3A_132 = tpu.vector_load %arg6[%get3A_129, %get3A_130, %get3A_131] {strides = array<i32>} : memref<2x32x1024xf32, #tpu.memory_space<vmem>>, vector<1x1x16xf32>,
      %get3A_133 = vector.shape_cast %get3A_132 : vector<1x1x16xf32> to vector<16xf32>
      %get3A_134 = arith.constant 1 : i32
      %get3A_135 = arith.constant 3 : i32
      %get3A_136 = arith.index_cast %get3A_134 : i32 to index
      %get3A_137 = arith.index_cast %get3A_135 : i32 to index
      %get3A_138 = arith.index_cast %mul3A_113 : i32 to index
      %get3A_139 = tpu.vector_load %arg6[%get3A_136, %get3A_137, %get3A_138] {strides = array<i32>} : memref<2x32x1024xf32, #tpu.memory_space<vmem>>, vector<1x1x16xf32>,
      %get3A_140 = vector.shape_cast %get3A_139 : vector<1x1x16xf32> to vector<16xf32>
      %get3A_141 = arith.constant 1 : i32
      %get3A_142 = arith.constant 4 : i32
      %get3A_143 = arith.index_cast %get3A_141 : i32 to index
      %get3A_144 = arith.index_cast %get3A_142 : i32 to index
      %get3A_145 = arith.index_cast %mul3A_113 : i32 to index
      %get3A_146 = tpu.vector_load %arg6[%get3A_143, %get3A_144, %get3A_145] {strides = array<i32>} : memref<2x32x1024xf32, #tpu.memory_space<vmem>>, vector<1x1x16xf32>,
      %get3A_147 = vector.shape_cast %get3A_146 : vector<1x1x16xf32> to vector<16xf32>
      %get3A_148 = arith.constant 1 : i32
      %get3A_149 = arith.constant 5 : i32
      %get3A_150 = arith.index_cast %get3A_148 : i32 to index
      %get3A_151 = arith.index_cast %get3A_149 : i32 to index
      %get3A_152 = arith.index_cast %mul3A_113 : i32 to index
      %get3A_153 = tpu.vector_load %arg6[%get3A_150, %get3A_151, %get3A_152] {strides = array<i32>} : memref<2x32x1024xf32, #tpu.memory_space<vmem>>, vector<1x1x16xf32>,
      %get3A_154 = vector.shape_cast %get3A_153 : vector<1x1x16xf32> to vector<16xf32>
      %get3A_155 = arith.constant 1 : i32
      %get3A_156 = arith.constant 6 : i32
      %get3A_157 = arith.index_cast %get3A_155 : i32 to index
      %get3A_158 = arith.index_cast %get3A_156 : i32 to index
      %get3A_159 = arith.index_cast %mul3A_113 : i32 to index
      %get3A_160 = tpu.vector_load %arg6[%get3A_157, %get3A_158, %get3A_159] {strides = array<i32>} : memref<2x32x1024xf32, #tpu.memory_space<vmem>>, vector<1x1x16xf32>,
      %get3A_161 = vector.shape_cast %get3A_160 : vector<1x1x16xf32> to vector<16xf32>
      %get3A_162 = arith.constant 1 : i32
      %get3A_163 = arith.constant 7 : i32
      %get3A_164 = arith.index_cast %get3A_162 : i32 to index
      %get3A_165 = arith.index_cast %get3A_163 : i32 to index
      %get3A_166 = arith.index_cast %mul3A_113 : i32 to index
      %get3A_167 = tpu.vector_load %arg6[%get3A_164, %get3A_165, %get3A_166] {strides = array<i32>} : memref<2x32x1024xf32, #tpu.memory_space<vmem>>, vector<1x1x16xf32>,
      %get3A_168 = vector.shape_cast %get3A_167 : vector<1x1x16xf32> to vector<16xf32>
      %get3A_169 = arith.constant 1 : i32
      %get3A_170 = arith.constant 8 : i32
      %get3A_171 = arith.index_cast %get3A_169 : i32 to index
      %get3A_172 = arith.index_cast %get3A_170 : i32 to index
      %get3A_173 = arith.index_cast %mul3A_113 : i32 to index
      %get3A_174 = tpu.vector_load %arg6[%get3A_171, %get3A_172, %get3A_173] {strides = array<i32>} : memref<2x32x1024xf32, #tpu.memory_space<vmem>>, vector<1x1x16xf32>,
      %get3A_175 = vector.shape_cast %get3A_174 : vector<1x1x16xf32> to vector<16xf32>
      %get3A_176 = arith.constant 1 : i32
      %get3A_177 = arith.constant 9 : i32
      %get3A_178 = arith.index_cast %get3A_176 : i32 to index
      %get3A_179 = arith.index_cast %get3A_177 : i32 to index
      %get3A_180 = arith.index_cast %mul3A_113 : i32 to index
      %get3A_181 = tpu.vector_load %arg6[%get3A_178, %get3A_179, %get3A_180] {strides = array<i32>} : memref<2x32x1024xf32, #tpu.memory_space<vmem>>, vector<1x1x16xf32>,
      %get3A_182 = vector.shape_cast %get3A_181 : vector<1x1x16xf32> to vector<16xf32>
      %get3A_183 = arith.constant 1 : i32
      %get3A_184 = arith.constant 10 : i32
      %get3A_185 = arith.index_cast %get3A_183 : i32 to index
      %get3A_186 = arith.index_cast %get3A_184 : i32 to index
      %get3A_187 = arith.index_cast %mul3A_113 : i32 to index
      %get3A_188 = tpu.vector_load %arg6[%get3A_185, %get3A_186, %get3A_187] {strides = array<i32>} : memref<2x32x1024xf32, #tpu.memory_space<vmem>>, vector<1x1x16xf32>,
      %get3A_189 = vector.shape_cast %get3A_188 : vector<1x1x16xf32> to vector<16xf32>
      %get3A_190 = arith.constant 1 : i32
      %get3A_191 = arith.constant 11 : i32
      %get3A_192 = arith.index_cast %get3A_190 : i32 to index
      %get3A_193 = arith.index_cast %get3A_191 : i32 to index
      %get3A_194 = arith.index_cast %mul3A_113 : i32 to index
      %get3A_195 = tpu.vector_load %arg6[%get3A_192, %get3A_193, %get3A_194] {strides = array<i32>} : memref<2x32x1024xf32, #tpu.memory_space<vmem>>, vector<1x1x16xf32>,
      %get3A_196 = vector.shape_cast %get3A_195 : vector<1x1x16xf32> to vector<16xf32>
      %get3A_197 = arith.constant 1 : i32
      %get3A_198 = arith.constant 12 : i32
      %get3A_199 = arith.index_cast %get3A_197 : i32 to index
      %get3A_200 = arith.index_cast %get3A_198 : i32 to index
      %get3A_201 = arith.index_cast %mul3A_113 : i32 to index
      %get3A_202 = tpu.vector_load %arg6[%get3A_199, %get3A_200, %get3A_201] {strides = array<i32>} : memref<2x32x1024xf32, #tpu.memory_space<vmem>>, vector<1x1x16xf32>,
      %get3A_203 = vector.shape_cast %get3A_202 : vector<1x1x16xf32> to vector<16xf32>
      %get3A_204 = arith.constant 1 : i32
      %get3A_205 = arith.constant 13 : i32
      %get3A_206 = arith.index_cast %get3A_204 : i32 to index
      %get3A_207 = arith.index_cast %get3A_205 : i32 to index
      %get3A_208 = arith.index_cast %mul3A_113 : i32 to index
      %get3A_209 = tpu.vector_load %arg6[%get3A_206, %get3A_207, %get3A_208] {strides = array<i32>} : memref<2x32x1024xf32, #tpu.memory_space<vmem>>, vector<1x1x16xf32>,
      %get3A_210 = vector.shape_cast %get3A_209 : vector<1x1x16xf32> to vector<16xf32>
      %get3A_211 = arith.constant 1 : i32
      %get3A_212 = arith.constant 14 : i32
      %get3A_213 = arith.index_cast %get3A_211 : i32 to index
      %get3A_214 = arith.index_cast %get3A_212 : i32 to index
      %get3A_215 = arith.index_cast %mul3A_113 : i32 to index
      %get3A_216 = tpu.vector_load %arg6[%get3A_213, %get3A_214, %get3A_215] {strides = array<i32>} : memref<2x32x1024xf32, #tpu.memory_space<vmem>>, vector<1x1x16xf32>,
      %get3A_217 = vector.shape_cast %get3A_216 : vector<1x1x16xf32> to vector<16xf32>
      %get3A_218 = arith.constant 1 : i32
      %get3A_219 = arith.constant 15 : i32
      %get3A_220 = arith.index_cast %get3A_218 : i32 to index
      %get3A_221 = arith.index_cast %get3A_219 : i32 to index
      %get3A_222 = arith.index_cast %mul3A_113 : i32 to index
      %get3A_223 = tpu.vector_load %arg6[%get3A_220, %get3A_221, %get3A_222] {strides = array<i32>} : memref<2x32x1024xf32, #tpu.memory_space<vmem>>, vector<1x1x16xf32>,
      %get3A_224 = vector.shape_cast %get3A_223 : vector<1x1x16xf32> to vector<16xf32>
      %get3A_225 = arith.constant 1 : i32
      %get3A_226 = arith.constant 16 : i32
      %get3A_227 = arith.index_cast %get3A_225 : i32 to index
      %get3A_228 = arith.index_cast %get3A_226 : i32 to index
      %get3A_229 = arith.index_cast %mul3A_113 : i32 to index
      %get3A_230 = tpu.vector_load %arg6[%get3A_227, %get3A_228, %get3A_229] {strides = array<i32>} : memref<2x32x1024xf32, #tpu.memory_space<vmem>>, vector<1x1x16xf32>,
      %get3A_231 = vector.shape_cast %get3A_230 : vector<1x1x16xf32> to vector<16xf32>
      %get3A_232 = arith.constant 1 : i32
      %get3A_233 = arith.constant 17 : i32
      %get3A_234 = arith.index_cast %get3A_232 : i32 to index
      %get3A_235 = arith.index_cast %get3A_233 : i32 to index
      %get3A_236 = arith.index_cast %mul3A_113 : i32 to index
      %get3A_237 = tpu.vector_load %arg6[%get3A_234, %get3A_235, %get3A_236] {strides = array<i32>} : memref<2x32x1024xf32, #tpu.memory_space<vmem>>, vector<1x1x16xf32>,
      %get3A_238 = vector.shape_cast %get3A_237 : vector<1x1x16xf32> to vector<16xf32>
      %get3A_239 = arith.constant 1 : i32
      %get3A_240 = arith.constant 18 : i32
      %get3A_241 = arith.index_cast %get3A_239 : i32 to index
      %get3A_242 = arith.index_cast %get3A_240 : i32 to index
      %get3A_243 = arith.index_cast %mul3A_113 : i32 to index
      %get3A_244 = tpu.vector_load %arg6[%get3A_241, %get3A_242, %get3A_243] {strides = array<i32>} : memref<2x32x1024xf32, #tpu.memory_space<vmem>>, vector<1x1x16xf32>,
      %get3A_245 = vector.shape_cast %get3A_244 : vector<1x1x16xf32> to vector<16xf32>
      %get3A_246 = arith.constant 1 : i32
      %get3A_247 = arith.constant 19 : i32
      %get3A_248 = arith.index_cast %get3A_246 : i32 to index
      %get3A_249 = arith.index_cast %get3A_247 : i32 to index
      %get3A_250 = arith.index_cast %mul3A_113 : i32 to index
      %get3A_251 = tpu.vector_load %arg6[%get3A_248, %get3A_249, %get3A_250] {strides = array<i32>} : memref<2x32x1024xf32, #tpu.memory_space<vmem>>, vector<1x1x16xf32>,
      %get3A_252 = vector.shape_cast %get3A_251 : vector<1x1x16xf32> to vector<16xf32>
      %get3A_253 = arith.constant 1 : i32
      %get3A_254 = arith.constant 20 : i32
      %get3A_255 = arith.index_cast %get3A_253 : i32 to index
      %get3A_256 = arith.index_cast %get3A_254 : i32 to index
      %get3A_257 = arith.index_cast %mul3A_113 : i32 to index
      %get3A_258 = tpu.vector_load %arg6[%get3A_255, %get3A_256, %get3A_257] {strides = array<i32>} : memref<2x32x1024xf32, #tpu.memory_space<vmem>>, vector<1x1x16xf32>,
      %get3A_259 = vector.shape_cast %get3A_258 : vector<1x1x16xf32> to vector<16xf32>
      %get3A_260 = arith.constant 1 : i32
      %get3A_261 = arith.constant 21 : i32
      %get3A_262 = arith.index_cast %get3A_260 : i32 to index
      %get3A_263 = arith.index_cast %get3A_261 : i32 to index
      %get3A_264 = arith.index_cast %mul3A_113 : i32 to index
      %get3A_265 = tpu.vector_load %arg6[%get3A_262, %get3A_263, %get3A_264] {strides = array<i32>} : memref<2x32x1024xf32, #tpu.memory_space<vmem>>, vector<1x1x16xf32>,
      %get3A_266 = vector.shape_cast %get3A_265 : vector<1x1x16xf32> to vector<16xf32>
      %get3A_267 = arith.constant 1 : i32
      %get3A_268 = arith.constant 22 : i32
      %get3A_269 = arith.index_cast %get3A_267 : i32 to index
      %get3A_270 = arith.index_cast %get3A_268 : i32 to index
      %get3A_271 = arith.index_cast %mul3A_113 : i32 to index
      %get3A_272 = tpu.vector_load %arg6[%get3A_269, %get3A_270, %get3A_271] {strides = array<i32>} : memref<2x32x1024xf32, #tpu.memory_space<vmem>>, vector<1x1x16xf32>,
      %get3A_273 = vector.shape_cast %get3A_272 : vector<1x1x16xf32> to vector<16xf32>
      %get3A_274 = arith.constant 1 : i32
      %get3A_275 = arith.constant 23 : i32
      %get3A_276 = arith.index_cast %get3A_274 : i32 to index
      %get3A_277 = arith.index_cast %get3A_275 : i32 to index
      %get3A_278 = arith.index_cast %mul3A_113 : i32 to index
      %get3A_279 = tpu.vector_load %arg6[%get3A_276, %get3A_277, %get3A_278] {strides = array<i32>} : memref<2x32x1024xf32, #tpu.memory_space<vmem>>, vector<1x1x16xf32>,
      %get3A_280 = vector.shape_cast %get3A_279 : vector<1x1x16xf32> to vector<16xf32>
      %get3A_281 = arith.constant 1 : i32
      %get3A_282 = arith.constant 24 : i32
      %get3A_283 = arith.index_cast %get3A_281 : i32 to index
      %get3A_284 = arith.index_cast %get3A_282 : i32 to index
      %get3A_285 = arith.index_cast %mul3A_113 : i32 to index
      %get3A_286 = tpu.vector_load %arg6[%get3A_283, %get3A_284, %get3A_285] {strides = array<i32>} : memref<2x32x1024xf32, #tpu.memory_space<vmem>>, vector<1x1x16xf32>,
      %get3A_287 = vector.shape_cast %get3A_286 : vector<1x1x16xf32> to vector<16xf32>
      %get3A_288 = arith.constant 1 : i32
      %get3A_289 = arith.constant 25 : i32
      %get3A_290 = arith.index_cast %get3A_288 : i32 to index
      %get3A_291 = arith.index_cast %get3A_289 : i32 to index
      %get3A_292 = arith.index_cast %mul3A_113 : i32 to index
      %get3A_293 = tpu.vector_load %arg6[%get3A_290, %get3A_291, %get3A_292] {strides = array<i32>} : memref<2x32x1024xf32, #tpu.memory_space<vmem>>, vector<1x1x16xf32>,
      %get3A_294 = vector.shape_cast %get3A_293 : vector<1x1x16xf32> to vector<16xf32>
      %get3A_295 = arith.constant 1 : i32
      %get3A_296 = arith.constant 26 : i32
      %get3A_297 = arith.index_cast %get3A_295 : i32 to index
      %get3A_298 = arith.index_cast %get3A_296 : i32 to index
      %get3A_299 = arith.index_cast %mul3A_113 : i32 to index
      %get3A_300 = tpu.vector_load %arg6[%get3A_297, %get3A_298, %get3A_299] {strides = array<i32>} : memref<2x32x1024xf32, #tpu.memory_space<vmem>>, vector<1x1x16xf32>,
      %get3A_301 = vector.shape_cast %get3A_300 : vector<1x1x16xf32> to vector<16xf32>
      %get3A_302 = arith.constant 1 : i32
      %get3A_303 = arith.constant 27 : i32
      %get3A_304 = arith.index_cast %get3A_302 : i32 to index
      %get3A_305 = arith.index_cast %get3A_303 : i32 to index
      %get3A_306 = arith.index_cast %mul3A_113 : i32 to index
      %get3A_307 = tpu.vector_load %arg6[%get3A_304, %get3A_305, %get3A_306] {strides = array<i32>} : memref<2x32x1024xf32, #tpu.memory_space<vmem>>, vector<1x1x16xf32>,
      %get3A_308 = vector.shape_cast %get3A_307 : vector<1x1x16xf32> to vector<16xf32>
      %get3A_309 = arith.constant 1 : i32
      %get3A_310 = arith.constant 28 : i32
      %get3A_311 = arith.index_cast %get3A_309 : i32 to index
      %get3A_312 = arith.index_cast %get3A_310 : i32 to index
      %get3A_313 = arith.index_cast %mul3A_113 : i32 to index
      %get3A_314 = tpu.vector_load %arg6[%get3A_311, %get3A_312, %get3A_313] {strides = array<i32>} : memref<2x32x1024xf32, #tpu.memory_space<vmem>>, vector<1x1x16xf32>,
      %get3A_315 = vector.shape_cast %get3A_314 : vector<1x1x16xf32> to vector<16xf32>
      %get3A_316 = arith.constant 1 : i32
      %get3A_317 = arith.constant 29 : i32
      %get3A_318 = arith.index_cast %get3A_316 : i32 to index
      %get3A_319 = arith.index_cast %get3A_317 : i32 to index
      %get3A_320 = arith.index_cast %mul3A_113 : i32 to index
      %get3A_321 = tpu.vector_load %arg6[%get3A_318, %get3A_319, %get3A_320] {strides = array<i32>} : memref<2x32x1024xf32, #tpu.memory_space<vmem>>, vector<1x1x16xf32>,
      %get3A_322 = vector.shape_cast %get3A_321 : vector<1x1x16xf32> to vector<16xf32>
      %get3A_323 = arith.constant 1 : i32
      %get3A_324 = arith.constant 30 : i32
      %get3A_325 = arith.index_cast %get3A_323 : i32 to index
      %get3A_326 = arith.index_cast %get3A_324 : i32 to index
      %get3A_327 = arith.index_cast %mul3A_113 : i32 to index
      %get3A_328 = tpu.vector_load %arg6[%get3A_325, %get3A_326, %get3A_327] {strides = array<i32>} : memref<2x32x1024xf32, #tpu.memory_space<vmem>>, vector<1x1x16xf32>,
      %get3A_329 = vector.shape_cast %get3A_328 : vector<1x1x16xf32> to vector<16xf32>
      %get3A_330 = arith.constant 1 : i32
      %get3A_331 = arith.constant 31 : i32
      %get3A_332 = arith.index_cast %get3A_330 : i32 to index
      %get3A_333 = arith.index_cast %get3A_331 : i32 to index
      %get3A_334 = arith.index_cast %mul3A_113 : i32 to index
      %get3A_335 = tpu.vector_load %arg6[%get3A_332, %get3A_333, %get3A_334] {strides = array<i32>} : memref<2x32x1024xf32, #tpu.memory_space<vmem>>, vector<1x1x16xf32>,
      %get3A_336 = vector.shape_cast %get3A_335 : vector<1x1x16xf32> to vector<16xf32>
      %add3A_337 = arith.addf %get3A_119, %get3A_126 : vector<16xf32>
      %add3A_338 = arith.addf %get3A_133, %get3A_140 : vector<16xf32>
      %add3A_339 = arith.addf %get3A_147, %get3A_154 : vector<16xf32>
      %add3A_340 = arith.addf %get3A_161, %get3A_168 : vector<16xf32>
      %add3A_341 = arith.addf %get3A_175, %get3A_182 : vector<16xf32>
      %add3A_342 = arith.addf %get3A_189, %get3A_196 : vector<16xf32>
      %add3A_343 = arith.addf %get3A_203, %get3A_210 : vector<16xf32>
      %add3A_344 = arith.addf %get3A_217, %get3A_224 : vector<16xf32>
      %add3A_345 = arith.addf %get3A_231, %get3A_238 : vector<16xf32>
      %add3A_346 = arith.addf %get3A_245, %get3A_252 : vector<16xf32>
      %add3A_347 = arith.addf %get3A_259, %get3A_266 : vector<16xf32>
      %add3A_348 = arith.addf %get3A_273, %get3A_280 : vector<16xf32>
      %add3A_349 = arith.addf %get3A_287, %get3A_294 : vector<16xf32>
      %add3A_350 = arith.addf %get3A_301, %get3A_308 : vector<16xf32>
      %add3A_351 = arith.addf %get3A_315, %get3A_322 : vector<16xf32>
      %add3A_352 = arith.addf %get3A_329, %get3A_336 : vector<16xf32>
      %add3A_353 = arith.addf %add3A_337, %add3A_338 : vector<16xf32>
      %add3A_354 = arith.addf %add3A_339, %add3A_340 : vector<16xf32>
      %add3A_355 = arith.addf %add3A_341, %add3A_342 : vector<16xf32>
      %add3A_356 = arith.addf %add3A_343, %add3A_344 : vector<16xf32>
      %add3A_357 = arith.addf %add3A_345, %add3A_346 : vector<16xf32>
      %add3A_358 = arith.addf %add3A_347, %add3A_348 : vector<16xf32>
      %add3A_359 = arith.addf %add3A_349, %add3A_350 : vector<16xf32>
      %add3A_360 = arith.addf %add3A_351, %add3A_352 : vector<16xf32>
      %add3A_361 = arith.addf %add3A_353, %add3A_354 : vector<16xf32>
      %add3A_362 = arith.addf %add3A_355, %add3A_356 : vector<16xf32>
      %add3A_363 = arith.addf %add3A_357, %add3A_358 : vector<16xf32>
      %add3A_364 = arith.addf %add3A_359, %add3A_360 : vector<16xf32>
      %add3A_365 = arith.addf %add3A_361, %add3A_362 : vector<16xf32>
      %add3A_366 = arith.addf %add3A_363, %add3A_364 : vector<16xf32>
      %add3A_367 = arith.addf %add3A_365, %add3A_366 : vector<16xf32>
      %mul3A_368 = arith.constant 3.125000e-02 : f32
      %mul3A_369 = vector.broadcast %mul3A_368 : f32 to vector<16xf32>
      %mul3A_370 = arith.mulf %add3A_367, %mul3A_369 : vector<16xf32>
      %swap3A = arith.constant 3 : i32
      %swap3A_371 = arith.index_cast %swap3A : i32 to index
      %swap3A_372 = arith.index_cast %mul3A_113 : i32 to index
      %swap3A_373 = tpu.vector_load %arg7[%swap3A_371, %swap3A_372] {strides = array<i32>} : memref<4x1024xf32, #tpu.memory_space<vmem>>, vector<1x16xf32>,
      %swap3A_374 = vector.shape_cast %swap3A_373 : vector<1x16xf32> to vector<16xf32>
      %swap3A_375 = vector.shape_cast %mul3A_370 : vector<16xf32> to vector<1x16xf32>
      tpu.vector_store %arg7[%swap3A_371, %swap3A_372], %swap3A_375 {strides = array<i32>} : memref<4x1024xf32, #tpu.memory_space<vmem>>, vector<1x16xf32>,
      %scan3A_376 = arith.constant 0 : i32
      scf.yield %scan3A_376 : i32
    }
    %scan3A_109 = arith.constant 64 : i32
    "tpu.region"() ({
      %run_scoped3A = tpu.sem_alloc : memref<!tpu.dma_semaphore, #tpu.memory_space<semaphore_mem>>
      %dma_start3A_110 = arith.constant 0 : i32
      %dma_start3A_111 = tpu.memref_slice %arg4[%mul3A_2, %dma_start3A_110] : memref<128x1024xf32, #tpu.memory_space<hbm>> -> memref<4x1024xf32, #tpu.memory_space<hbm>>
      %dma_start3A_112 = arith.constant 0 : i32
      %dma_start3A_113 = tpu.memref_slice %arg4[%mul3A_2, %dma_start3A_112] : memref<128x1024xf32, #tpu.memory_space<hbm>> -> memref<4x1024xf32, #tpu.memory_space<hbm>>
      tpu.enqueue_dma source(%arg7 : memref<4x1024xf32, #tpu.memory_space<vmem>>) target(%dma_start3A_113 : memref<4x1024xf32, #tpu.memory_space<hbm>>) target_semaphore(%run_scoped3A : memref<!tpu.dma_semaphore, #tpu.memory_space<semaphore_mem>>)
      %dma_wait3A_114 = arith.constant 0 : i32
      %dma_wait3A_115 = tpu.memref_slice %arg4[%mul3A_2, %dma_wait3A_114] : memref<128x1024xf32, #tpu.memory_space<hbm>> -> memref<4x1024xf32, #tpu.memory_space<hbm>>
      %dma_wait3A_116 = arith.constant 0 : i32
      %dma_wait3A_117 = tpu.memref_slice %arg4[%mul3A_2, %dma_wait3A_116] : memref<128x1024xf32, #tpu.memory_space<hbm>> -> memref<4x1024xf32, #tpu.memory_space<hbm>>
      tpu.wait_dma2 semaphore(%run_scoped3A : memref<!tpu.dma_semaphore, #tpu.memory_space<semaphore_mem>>) src(%arg7 : memref<4x1024xf32, #tpu.memory_space<vmem>>) dst(%dma_wait3A_117 : memref<4x1024xf32, #tpu.memory_space<hbm>>)
      tpu.yield
    }) : () -> ()
    return
  }
}

module attributes {stable_mosaic.version = 14 : i64} {
  func.func @_router_body(%arg0: memref<128x1024xf32, #tpu.memory_space<vmem>>, %arg1: memref<8x1024xf32, #tpu.memory_space<vmem>>, %arg2: memref<128x8xf32, #tpu.memory_space<vmem>>, %arg3: memref<128x1xi32, #tpu.memory_space<vmem>>, %arg4: memref<128x8xf32, #tpu.memory_space<vmem>>, %arg5: memref<128x1xf32, #tpu.memory_space<vmem>>, %arg6: memref<1x8xi32, #tpu.memory_space<vmem>>, %arg7: memref<1x8xi32, #tpu.memory_space<vmem>>, %arg8: memref<256x1024xbf16, #tpu.memory_space<vmem>>) attributes {dimension_semantics = [], scalar_prefetch = 0 : i64, scratch_operands = 0 : i64, tpu.core_type = #tpu.core_type<tc>} {
    %get3A = arith.constant 0 : index
    %get3A_0 = arith.constant 0 : index
    %get3A_1 = vector.load %arg0[%get3A, %get3A_0] : memref<128x1024xf32, #tpu.memory_space<vmem>>, vector<128x1024xf32>
    %get3A_2 = arith.constant 0 : index
    %get3A_3 = arith.constant 0 : index
    %get3A_4 = vector.load %arg1[%get3A_2, %get3A_3] : memref<8x1024xf32, #tpu.memory_space<vmem>>, vector<8x1024xf32>
    %dot_general3A = arith.constant dense<0.000000e+00> : vector<128x8xf32>
    %dot_general3A_5 = tpu.matmul %get3A_1, %get3A_4, %dot_general3A {dimension_numbers = #tpu.dot_dimension_numbers<[1], [1], [0], [0], [0, 0, 1, 0], [], []>, transpose_lhs_hint = false} : vector<128x1024xf32>, vector<8x1024xf32>, vector<128x8xf32> -> vector<128x8xf32>
    %swap3A = arith.constant 0 : index
    %swap3A_6 = arith.constant 0 : index
    %swap3A_7 = vector.load %arg2[%swap3A, %swap3A_6] : memref<128x8xf32, #tpu.memory_space<vmem>>, vector<128x8xf32>
    tpu.vector_store %arg2[%swap3A, %swap3A_6], %dot_general3A_5 {strides = array<i32>} : memref<128x8xf32, #tpu.memory_space<vmem>>, vector<128x8xf32>,
    %reduce_max3A = arith.constant dense<0xFF800000> : vector<128xf32>
    %reduce_max3A_8 = vector.multi_reduction <maximumf>, %dot_general3A_5, %reduce_max3A [1] : vector<128x8xf32> to vector<128xf32>
    %broadcast_in_dim3A = vector.shape_cast %reduce_max3A_8 : vector<128xf32> to vector<128x1xf32>
    %iota3A = tpu.iota {dimensions = array<i32: 1>} : vector<128x8xi32>
    %convert_element_type3A = arith.sitofp %iota3A : vector<128x8xi32> to vector<128x8xf32>
    %ge3A = vector.broadcast %broadcast_in_dim3A : vector<128x1xf32> to vector<128x8xf32>
    %ge3A_9 = arith.cmpf oge, %dot_general3A_5, %ge3A : vector<128x8xf32>
    %jit3A = arith.constant 8.000000e+00 : f32
    %broadcast_in_dim3A_10 = vector.broadcast %jit3A : f32 to vector<128x8xf32>
    %select_n3A = arith.select %ge3A_9, %convert_element_type3A, %broadcast_in_dim3A_10 : vector<128x8xi1>, vector<128x8xf32>
    %reduce_min3A = arith.constant dense<0x7F800000> : vector<128xf32>
    %reduce_min3A_11 = vector.multi_reduction <minimumf>, %select_n3A, %reduce_min3A [1] : vector<128x8xf32> to vector<128xf32>
    %broadcast_in_dim3A_12 = vector.shape_cast %reduce_min3A_11 : vector<128xf32> to vector<128x1xf32>
    %convert_element_type3A_13 = arith.fptosi %broadcast_in_dim3A_12 : vector<128x1xf32> to vector<128x1xi32>
    %swap3A_14 = arith.constant 0 : index
    %swap3A_15 = arith.constant 0 : index
    %swap3A_16 = vector.load %arg3[%swap3A_14, %swap3A_15] : memref<128x1xi32, #tpu.memory_space<vmem>>, vector<128x1xi32>
    tpu.vector_store %arg3[%swap3A_14, %swap3A_15], %convert_element_type3A_13 {strides = array<i32>} : memref<128x1xi32, #tpu.memory_space<vmem>>, vector<128x1xi32>,
    %eq3A = vector.broadcast %broadcast_in_dim3A_12 : vector<128x1xf32> to vector<128x8xf32>
    %eq3A_17 = arith.cmpf oeq, %convert_element_type3A, %eq3A : vector<128x8xf32>
    %convert_element_type3A_18 = arith.extui %eq3A_17 : vector<128x8xi1> to vector<128x8xi32>
    %convert_element_type3A_19 = arith.sitofp %convert_element_type3A_18 : vector<128x8xi32> to vector<128x8xf32>
    %swap3A_20 = arith.constant 0 : index
    %swap3A_21 = arith.constant 0 : index
    %swap3A_22 = vector.load %arg4[%swap3A_20, %swap3A_21] : memref<128x8xf32, #tpu.memory_space<vmem>>, vector<128x8xf32>
    tpu.vector_store %arg4[%swap3A_20, %swap3A_21], %convert_element_type3A_19 {strides = array<i32>} : memref<128x8xf32, #tpu.memory_space<vmem>>, vector<128x8xf32>,
    %reduce_sum3A = arith.constant dense<0.000000e+00> : vector<8xf32>
    %reduce_sum3A_23 = vector.multi_reduction <add>, %convert_element_type3A_19, %reduce_sum3A [0] : vector<128x8xf32> to vector<8xf32>
    %broadcast_in_dim3A_24 = vector.shape_cast %reduce_sum3A_23 : vector<8xf32> to vector<1x8xf32>
    %add3A = arith.constant 1.500000e+01 : f32
    %add3A_25 = vector.broadcast %add3A : f32 to vector<1x8xf32>
    %add3A_26 = arith.addf %broadcast_in_dim3A_24, %add3A_25 : vector<1x8xf32>
    %mul3A = arith.constant 6.250000e-02 : f32
    %mul3A_27 = vector.broadcast %mul3A : f32 to vector<1x8xf32>
    %mul3A_28 = arith.mulf %add3A_26, %mul3A_27 : vector<1x8xf32>
    %floor3A = math.floor %mul3A_28 : vector<1x8xf32>
    %mul3A_29 = arith.constant 1.600000e+01 : f32
    %mul3A_30 = vector.broadcast %mul3A_29 : f32 to vector<1x8xf32>
    %mul3A_31 = arith.mulf %floor3A, %mul3A_30 : vector<1x8xf32>
    %iota3A_32 = tpu.iota {dimensions = array<i32: 0>} : vector<8x8xi32>
    %iota3A_33 = tpu.iota {dimensions = array<i32: 1>} : vector<8x8xi32>
    %lt3A = arith.cmpi slt, %iota3A_32, %iota3A_33 : vector<8x8xi32>
    %convert_element_type3A_34 = arith.extui %lt3A : vector<8x8xi1> to vector<8x8xi32>
    %convert_element_type3A_35 = arith.sitofp %convert_element_type3A_34 : vector<8x8xi32> to vector<8x8xf32>
    %dot_general3A_36 = arith.constant dense<0.000000e+00> : vector<1x8xf32>
    %dot_general3A_37 = tpu.matmul %mul3A_31, %convert_element_type3A_35, %dot_general3A_36 {dimension_numbers = #tpu.dot_dimension_numbers<[1], [0], [0], [1], [0, 0, 1, 1], [], []>, transpose_lhs_hint = false} : vector<1x8xf32>, vector<8x8xf32>, vector<1x8xf32> -> vector<1x8xf32>
    %iota3A_38 = tpu.iota {dimensions = array<i32: 0>} : vector<128x128xi32>
    %iota3A_39 = tpu.iota {dimensions = array<i32: 1>} : vector<128x128xi32>
    %ge3A_40 = arith.cmpi sge, %iota3A_38, %iota3A_39 : vector<128x128xi32>
    %convert_element_type3A_41 = arith.extui %ge3A_40 : vector<128x128xi1> to vector<128x128xi32>
    %convert_element_type3A_42 = arith.sitofp %convert_element_type3A_41 : vector<128x128xi32> to vector<128x128xf32>
    %dot_general3A_43 = arith.constant dense<0.000000e+00> : vector<128x8xf32>
    %dot_general3A_44 = tpu.matmul %convert_element_type3A_42, %convert_element_type3A_19, %dot_general3A_43 {dimension_numbers = #tpu.dot_dimension_numbers<[1], [0], [0], [1], [0, 0, 1, 1], [], []>, transpose_lhs_hint = false} : vector<128x128xf32>, vector<128x8xf32>, vector<128x8xf32> -> vector<128x8xf32>
    %mul3A_45 = arith.mulf %dot_general3A_44, %convert_element_type3A_19 : vector<128x8xf32>
    %reduce_sum3A_46 = arith.constant dense<0.000000e+00> : vector<128xf32>
    %reduce_sum3A_47 = vector.multi_reduction <add>, %mul3A_45, %reduce_sum3A_46 [1] : vector<128x8xf32> to vector<128xf32>
    %broadcast_in_dim3A_48 = vector.shape_cast %reduce_sum3A_47 : vector<128xf32> to vector<128x1xf32>
    %sub3A = arith.constant 1.000000e+00 : f32
    %sub3A_49 = vector.broadcast %sub3A : f32 to vector<128x1xf32>
    %sub3A_50 = arith.subf %broadcast_in_dim3A_48, %sub3A_49 : vector<128x1xf32>
    %dot_general3A_51 = arith.constant dense<0.000000e+00> : vector<128x1xf32>
    %dot_general3A_52 = tpu.matmul %convert_element_type3A_19, %dot_general3A_37, %dot_general3A_51 {dimension_numbers = #tpu.dot_dimension_numbers<[1], [1], [0], [0], [0, 0, 1, 0], [], []>, transpose_lhs_hint = false} : vector<128x8xf32>, vector<1x8xf32>, vector<128x1xf32> -> vector<128x1xf32>
    %add3A_53 = arith.addf %dot_general3A_52, %sub3A_50 : vector<128x1xf32>
    %swap3A_54 = arith.constant 0 : index
    %swap3A_55 = arith.constant 0 : index
    %swap3A_56 = vector.load %arg5[%swap3A_54, %swap3A_55] : memref<128x1xf32, #tpu.memory_space<vmem>>, vector<128x1xf32>
    tpu.vector_store %arg5[%swap3A_54, %swap3A_55], %add3A_53 {strides = array<i32>} : memref<128x1xf32, #tpu.memory_space<vmem>>, vector<128x1xf32>,
    %convert_element_type3A_57 = arith.fptosi %floor3A : vector<1x8xf32> to vector<1x8xi32>
    %swap3A_58 = arith.constant 0 : index
    %swap3A_59 = arith.constant 0 : index
    %swap3A_60 = vector.load %arg6[%swap3A_58, %swap3A_59] : memref<1x8xi32, #tpu.memory_space<vmem>>, vector<1x8xi32>
    tpu.vector_store %arg6[%swap3A_58, %swap3A_59], %convert_element_type3A_57 {strides = array<i32>} : memref<1x8xi32, #tpu.memory_space<vmem>>, vector<1x8xi32>,
    %convert_element_type3A_61 = arith.fptosi %dot_general3A_37 : vector<1x8xf32> to vector<1x8xi32>
    %swap3A_62 = arith.constant 0 : index
    %swap3A_63 = arith.constant 0 : index
    %swap3A_64 = vector.load %arg7[%swap3A_62, %swap3A_63] : memref<1x8xi32, #tpu.memory_space<vmem>>, vector<1x8xi32>
    tpu.vector_store %arg7[%swap3A_62, %swap3A_63], %convert_element_type3A_61 {strides = array<i32>} : memref<1x8xi32, #tpu.memory_space<vmem>>, vector<1x8xi32>,
    %iota3A_65 = tpu.iota {dimensions = array<i32: 1>} : vector<128x256xi32>
    %convert_element_type3A_66 = arith.sitofp %iota3A_65 : vector<128x256xi32> to vector<128x256xf32>
    %eq3A_67 = vector.broadcast %add3A_53 : vector<128x1xf32> to vector<128x256xf32>
    %eq3A_68 = arith.cmpf oeq, %eq3A_67, %convert_element_type3A_66 : vector<128x256xf32>
    %convert_element_type3A_69 = arith.extui %eq3A_68 : vector<128x256xi1> to vector<128x256xi32>
    %convert_element_type3A_70 = arith.sitofp %convert_element_type3A_69 : vector<128x256xi32> to vector<128x256xf32>
    %dot_general3A_71 = arith.constant dense<0.000000e+00> : vector<256x1024xf32>
    %dot_general3A_72 = tpu.matmul %convert_element_type3A_70, %get3A_1, %dot_general3A_71 {dimension_numbers = #tpu.dot_dimension_numbers<[0], [0], [1], [1], [0, 1, 1, 1], [], []>, transpose_lhs_hint = false} : vector<128x256xf32>, vector<128x1024xf32>, vector<256x1024xf32> -> vector<256x1024xf32>
    %convert_element_type3A_73 = arith.truncf %dot_general3A_72 : vector<256x1024xf32> to vector<256x1024xbf16>
    %swap3A_74 = arith.constant 0 : index
    %swap3A_75 = arith.constant 0 : index
    %swap3A_76 = vector.load %arg8[%swap3A_74, %swap3A_75] : memref<256x1024xbf16, #tpu.memory_space<vmem>>, vector<256x1024xbf16>
    tpu.vector_store %arg8[%swap3A_74, %swap3A_75], %convert_element_type3A_73 {strides = array<i32>} : memref<256x1024xbf16, #tpu.memory_space<vmem>>, vector<256x1024xbf16>,
    return
  }
}

module attributes {stable_mosaic.version = 14 : i64} {
  func.func @_ffn_body(%arg0: i32, %arg1: i32, %arg2: memref<1x8xi32, #tpu.memory_space<smem>>, %arg3: memref<1x8xi32, #tpu.memory_space<smem>>, %arg4: memref<256x1024xbf16, #tpu.memory_space<vmem>>, %arg5: memref<1x1024x2048xf32, #tpu.memory_space<vmem>>, %arg6: memref<1x1x2048xf32, #tpu.memory_space<vmem>>, %arg7: memref<1x2048x1024xf32, #tpu.memory_space<vmem>>, %arg8: memref<8x1024xf32, #tpu.memory_space<vmem>>, %arg9: memref<8x1xf32, #tpu.memory_space<vmem>>, %arg10: memref<128x8xf32, #tpu.memory_space<vmem>>, %arg11: memref<128x1xf32, #tpu.memory_space<vmem>>, %arg12: memref<128x1024xf32, #tpu.memory_space<vmem>>, %arg13: memref<256x1024xf32, #tpu.memory_space<vmem>>) attributes {dimension_semantics = [#tpu.dimension_semantics<arbitrary>, #tpu.dimension_semantics<arbitrary>], iteration_bounds = array<i64: 8, 2>, scalar_prefetch = 0 : i64, scratch_operands = 1 : i64, tpu.core_type = #tpu.core_type<tc>, window_params = [{transform_indices = @transform_0, window_bounds = array<i64: 1, 8>}, {transform_indices = @transform_1, window_bounds = array<i64: 1, 8>}, {pipeline_mode = #tpu.pipeline_mode<synchronous>, transform_indices = @transform_2, window_bounds = array<i64: 256, 1024>}, {transform_indices = @transform_3, window_bounds = array<i64: 1, 1024, 2048>}, {transform_indices = @transform_4, window_bounds = array<i64: 1, 1, 2048>}, {transform_indices = @transform_5, window_bounds = array<i64: 1, 2048, 1024>}, {pipeline_mode = #tpu.pipeline_mode<synchronous>, transform_indices = @transform_6, window_bounds = array<i64: 8, 1024>}, {pipeline_mode = #tpu.pipeline_mode<synchronous>, transform_indices = @transform_7, window_bounds = array<i64: 8, 1>}, {pipeline_mode = #tpu.pipeline_mode<synchronous>, transform_indices = @transform_8, window_bounds = array<i64: 128, 8>}, {pipeline_mode = #tpu.pipeline_mode<synchronous>, transform_indices = @transform_9, window_bounds = array<i64: 128, 1>}, {pipeline_mode = #tpu.pipeline_mode<synchronous>, transform_indices = @transform_10, window_bounds = array<i64: 128, 1024>}]} {
    %eq3A = arith.constant 0 : i32
    %eq3A_0 = arith.cmpi eq, %arg0, %eq3A : i32
    %eq3A_1 = arith.constant 0 : i32
    %eq3A_2 = arith.cmpi eq, %arg1, %eq3A_1 : i32
    %and3A = arith.andi %eq3A_0, %eq3A_2 : i1
    %convert_element_type3A = arith.extui %and3A : i1 to i32
    %cond3A = arith.constant 0 : i32
    %cond3A_3 = arith.cmpi ne, %convert_element_type3A, %cond3A : i32
    scf.if %cond3A_3 {
      %broadcast_in_dim3A = arith.constant 0.000000e+00 : f32
      %broadcast_in_dim3A_21 = vector.broadcast %broadcast_in_dim3A : f32 to vector<256x1024xf32>
      %swap3A = arith.constant 0 : index
      %swap3A_22 = arith.constant 0 : index
      %swap3A_23 = vector.load %arg13[%swap3A, %swap3A_22] : memref<256x1024xf32, #tpu.memory_space<vmem>>, vector<256x1024xf32>
      tpu.vector_store %arg13[%swap3A, %swap3A_22], %broadcast_in_dim3A_21 {strides = array<i32>} : memref<256x1024xf32, #tpu.memory_space<vmem>>, vector<256x1024xf32>,
    } else {
    }
    %get3A = arith.constant 0 : index
    %get3A_4 = arith.index_cast %arg0 : i32 to index
    %get3A_5 = memref.load %arg2[%get3A, %get3A_4] : memref<1x8xi32, #tpu.memory_space<smem>>
    %get3A_6 = arith.constant 0 : index
    %get3A_7 = arith.index_cast %arg0 : i32 to index
    %get3A_8 = memref.load %arg3[%get3A_6, %get3A_7] : memref<1x8xi32, #tpu.memory_space<smem>>
    %gt3A = arith.constant 0 : i32
    %gt3A_9 = arith.cmpi sgt, %get3A_5, %gt3A : i32
    %convert_element_type3A_10 = arith.extui %gt3A_9 : i1 to i32
    %cond3A_11 = arith.constant 0 : i32
    %cond3A_12 = arith.cmpi ne, %convert_element_type3A_10, %cond3A_11 : i32
    scf.if %cond3A_12 {
      %get3A_21 = arith.constant 0 : index
      %get3A_22 = arith.constant 0 : index
      %get3A_23 = arith.constant 0 : index
      %get3A_24 = vector.load %arg6[%get3A_21, %get3A_22, %get3A_23] : memref<1x1x2048xf32, #tpu.memory_space<vmem>>, vector<1x1x2048xf32>
      %get3A_25 = vector.shape_cast %get3A_24 : vector<1x1x2048xf32> to vector<1x2048xf32>
      %while3A = arith.constant 0 : i32
      %while3A_26 = arith.constant 0 : i32
      %while3A_27 = arith.subi %get3A_5, %while3A : i32
      %while3A_28 = arith.addi %while3A, %while3A_27 : i32
      %while3A_29 = arith.constant 1 : i32
      %while3A_30 = arith.divsi %while3A_27, %while3A_29 : i32
      %while3A_31 = arith.muli %while3A_30, %while3A_29 : i32
      %while3A_32 = arith.addi %while3A, %while3A_31 : i32
      %while3A_33 = arith.constant 1 : i32
      %while3A_34 = scf.for %while3A_37 = %while3A to %while3A_32 step %while3A_33 iter_args(%while3A_38 = %while3A_26) -> (i32)  : i32 {
        %mul3A = arith.constant 16 : i32
        %mul3A_39 = arith.muli %while3A_37, %mul3A : i32
        %add3A = arith.addi %get3A_8, %mul3A_39 : i32
        %multiple_of3A = tpu.assume_multiple %add3A, 16 : i32
        %get3A_40 = arith.index_cast %multiple_of3A : i32 to index
        %get3A_41 = arith.constant 0 : index
        %get3A_42 = vector.load %arg4[%get3A_40, %get3A_41] : memref<256x1024xbf16, #tpu.memory_space<vmem>>, vector<16x1024xbf16>
        %convert_element_type3A_43 = arith.extf %get3A_42 : vector<16x1024xbf16> to vector<16x1024xf32>
        %get3A_44 = arith.constant 0 : index
        %get3A_45 = arith.constant 0 : index
        %get3A_46 = arith.constant 0 : index
        %get3A_47 = vector.load %arg5[%get3A_44, %get3A_45, %get3A_46] : memref<1x1024x2048xf32, #tpu.memory_space<vmem>>, vector<1x1024x2048xf32>
        %get3A_48 = vector.shape_cast %get3A_47 : vector<1x1024x2048xf32> to vector<1024x2048xf32>
        %dot_general3A = arith.constant dense<0.000000e+00> : vector<16x2048xf32>
        %dot_general3A_49 = tpu.matmul %convert_element_type3A_43, %get3A_48, %dot_general3A {dimension_numbers = #tpu.dot_dimension_numbers<[1], [0], [0], [1], [0, 0, 1, 1], [], []>, transpose_lhs_hint = false} : vector<16x1024xf32>, vector<1024x2048xf32>, vector<16x2048xf32> -> vector<16x2048xf32>
        %add3A_50 = vector.broadcast %get3A_25 : vector<1x2048xf32> to vector<16x2048xf32>
        %add3A_51 = arith.addf %dot_general3A_49, %add3A_50 : vector<16x2048xf32>
        %max3A = arith.constant 0.000000e+00 : f32
        %max3A_52 = vector.broadcast %max3A : f32 to vector<16x2048xf32>
        %max3A_53 = arith.maximumf %add3A_51, %max3A_52 : vector<16x2048xf32>
        %get3A_54 = arith.constant 0 : index
        %get3A_55 = arith.constant 0 : index
        %get3A_56 = arith.constant 0 : index
        %get3A_57 = vector.load %arg7[%get3A_54, %get3A_55, %get3A_56] : memref<1x2048x1024xf32, #tpu.memory_space<vmem>>, vector<1x2048x1024xf32>
        %get3A_58 = vector.shape_cast %get3A_57 : vector<1x2048x1024xf32> to vector<2048x1024xf32>
        %dot_general3A_59 = arith.constant dense<0.000000e+00> : vector<16x1024xf32>
        %dot_general3A_60 = tpu.matmul %max3A_53, %get3A_58, %dot_general3A_59 {dimension_numbers = #tpu.dot_dimension_numbers<[1], [0], [0], [1], [0, 0, 1, 1], [], []>, transpose_lhs_hint = false} : vector<16x2048xf32>, vector<2048x1024xf32>, vector<16x1024xf32> -> vector<16x1024xf32>
        %get3A_61 = arith.index_cast %multiple_of3A : i32 to index
        %get3A_62 = arith.constant 0 : index
        %get3A_63 = vector.load %arg13[%get3A_61, %get3A_62] : memref<256x1024xf32, #tpu.memory_space<vmem>>, vector<16x1024xf32>
        %add3A_64 = arith.addf %get3A_63, %dot_general3A_60 : vector<16x1024xf32>
        %swap3A = arith.index_cast %multiple_of3A : i32 to index
        %swap3A_65 = arith.constant 0 : index
        %swap3A_66 = vector.load %arg13[%swap3A, %swap3A_65] : memref<256x1024xf32, #tpu.memory_space<vmem>>, vector<16x1024xf32>
        tpu.vector_store %arg13[%swap3A, %swap3A_65], %add3A_64 {strides = array<i32>} : memref<256x1024xf32, #tpu.memory_space<vmem>>, vector<16x1024xf32>,
        %while3A_67 = arith.constant 0 : i32
        scf.yield %while3A_67 : i32
      }
      %while3A_35 = arith.constant 1 : i32
      %while3A_36 = scf.for %while3A_37 = %while3A_32 to %while3A_28 step %while3A_35 iter_args(%while3A_38 = %while3A_34) -> (i32)  : i32 {
        %mul3A = arith.constant 16 : i32
        %mul3A_39 = arith.muli %while3A_37, %mul3A : i32
        %add3A = arith.addi %get3A_8, %mul3A_39 : i32
        %multiple_of3A = tpu.assume_multiple %add3A, 16 : i32
        %get3A_40 = arith.index_cast %multiple_of3A : i32 to index
        %get3A_41 = arith.constant 0 : index
        %get3A_42 = vector.load %arg4[%get3A_40, %get3A_41] : memref<256x1024xbf16, #tpu.memory_space<vmem>>, vector<16x1024xbf16>
        %convert_element_type3A_43 = arith.extf %get3A_42 : vector<16x1024xbf16> to vector<16x1024xf32>
        %get3A_44 = arith.constant 0 : index
        %get3A_45 = arith.constant 0 : index
        %get3A_46 = arith.constant 0 : index
        %get3A_47 = vector.load %arg5[%get3A_44, %get3A_45, %get3A_46] : memref<1x1024x2048xf32, #tpu.memory_space<vmem>>, vector<1x1024x2048xf32>
        %get3A_48 = vector.shape_cast %get3A_47 : vector<1x1024x2048xf32> to vector<1024x2048xf32>
        %dot_general3A = arith.constant dense<0.000000e+00> : vector<16x2048xf32>
        %dot_general3A_49 = tpu.matmul %convert_element_type3A_43, %get3A_48, %dot_general3A {dimension_numbers = #tpu.dot_dimension_numbers<[1], [0], [0], [1], [0, 0, 1, 1], [], []>, transpose_lhs_hint = false} : vector<16x1024xf32>, vector<1024x2048xf32>, vector<16x2048xf32> -> vector<16x2048xf32>
        %add3A_50 = vector.broadcast %get3A_25 : vector<1x2048xf32> to vector<16x2048xf32>
        %add3A_51 = arith.addf %dot_general3A_49, %add3A_50 : vector<16x2048xf32>
        %max3A = arith.constant 0.000000e+00 : f32
        %max3A_52 = vector.broadcast %max3A : f32 to vector<16x2048xf32>
        %max3A_53 = arith.maximumf %add3A_51, %max3A_52 : vector<16x2048xf32>
        %get3A_54 = arith.constant 0 : index
        %get3A_55 = arith.constant 0 : index
        %get3A_56 = arith.constant 0 : index
        %get3A_57 = vector.load %arg7[%get3A_54, %get3A_55, %get3A_56] : memref<1x2048x1024xf32, #tpu.memory_space<vmem>>, vector<1x2048x1024xf32>
        %get3A_58 = vector.shape_cast %get3A_57 : vector<1x2048x1024xf32> to vector<2048x1024xf32>
        %dot_general3A_59 = arith.constant dense<0.000000e+00> : vector<16x1024xf32>
        %dot_general3A_60 = tpu.matmul %max3A_53, %get3A_58, %dot_general3A_59 {dimension_numbers = #tpu.dot_dimension_numbers<[1], [0], [0], [1], [0, 0, 1, 1], [], []>, transpose_lhs_hint = false} : vector<16x2048xf32>, vector<2048x1024xf32>, vector<16x1024xf32> -> vector<16x1024xf32>
        %get3A_61 = arith.index_cast %multiple_of3A : i32 to index
        %get3A_62 = arith.constant 0 : index
        %get3A_63 = vector.load %arg13[%get3A_61, %get3A_62] : memref<256x1024xf32, #tpu.memory_space<vmem>>, vector<16x1024xf32>
        %add3A_64 = arith.addf %get3A_63, %dot_general3A_60 : vector<16x1024xf32>
        %swap3A = arith.index_cast %multiple_of3A : i32 to index
        %swap3A_65 = arith.constant 0 : index
        %swap3A_66 = vector.load %arg13[%swap3A, %swap3A_65] : memref<256x1024xf32, #tpu.memory_space<vmem>>, vector<16x1024xf32>
        tpu.vector_store %arg13[%swap3A, %swap3A_65], %add3A_64 {strides = array<i32>} : memref<256x1024xf32, #tpu.memory_space<vmem>>, vector<16x1024xf32>,
        %while3A_67 = arith.constant 0 : i32
        scf.yield %while3A_67 : i32
      }
    } else {
    }
    %eq3A_13 = arith.constant 7 : i32
    %eq3A_14 = arith.cmpi eq, %arg0, %eq3A_13 : i32
    %eq3A_15 = arith.constant 1 : i32
    %eq3A_16 = arith.cmpi eq, %arg1, %eq3A_15 : i32
    %and3A_17 = arith.andi %eq3A_14, %eq3A_16 : i1
    %convert_element_type3A_18 = arith.extui %and3A_17 : i1 to i32
    %cond3A_19 = arith.constant 0 : i32
    %cond3A_20 = arith.cmpi ne, %convert_element_type3A_18, %cond3A_19 : i32
    scf.if %cond3A_20 {
      %get3A_21 = arith.constant 0 : index
      %get3A_22 = arith.constant 0 : index
      %get3A_23 = vector.load %arg11[%get3A_21, %get3A_22] : memref<128x1xf32, #tpu.memory_space<vmem>>, vector<128x1xf32>
      %iota3A = tpu.iota {dimensions = array<i32: 1>} : vector<128x256xi32>
      %convert_element_type3A_24 = arith.sitofp %iota3A : vector<128x256xi32> to vector<128x256xf32>
      %eq3A_25 = vector.broadcast %get3A_23 : vector<128x1xf32> to vector<128x256xf32>
      %eq3A_26 = arith.cmpf oeq, %eq3A_25, %convert_element_type3A_24 : vector<128x256xf32>
      %convert_element_type3A_27 = arith.extui %eq3A_26 : vector<128x256xi1> to vector<128x256xi32>
      %convert_element_type3A_28 = arith.sitofp %convert_element_type3A_27 : vector<128x256xi32> to vector<128x256xf32>
      %get3A_29 = arith.constant 0 : index
      %get3A_30 = arith.constant 0 : index
      %get3A_31 = vector.load %arg13[%get3A_29, %get3A_30] : memref<256x1024xf32, #tpu.memory_space<vmem>>, vector<256x1024xf32>
      %dot_general3A = arith.constant dense<0.000000e+00> : vector<128x1024xf32>
      %dot_general3A_32 = tpu.matmul %convert_element_type3A_28, %get3A_31, %dot_general3A {dimension_numbers = #tpu.dot_dimension_numbers<[1], [0], [0], [1], [0, 0, 1, 1], [], []>, transpose_lhs_hint = false} : vector<128x256xf32>, vector<256x1024xf32>, vector<128x1024xf32> -> vector<128x1024xf32>
      %get3A_33 = arith.constant 0 : index
      %get3A_34 = arith.constant 0 : index
      %get3A_35 = vector.load %arg10[%get3A_33, %get3A_34] : memref<128x8xf32, #tpu.memory_space<vmem>>, vector<128x8xf32>
      %get3A_36 = arith.constant 0 : index
      %get3A_37 = arith.constant 0 : index
      %get3A_38 = vector.load %arg8[%get3A_36, %get3A_37] : memref<8x1024xf32, #tpu.memory_space<vmem>>, vector<8x1024xf32>
      %dot_general3A_39 = arith.constant dense<0.000000e+00> : vector<128x1024xf32>
      %dot_general3A_40 = tpu.matmul %get3A_35, %get3A_38, %dot_general3A_39 {dimension_numbers = #tpu.dot_dimension_numbers<[1], [0], [0], [1], [0, 0, 1, 1], [], []>, transpose_lhs_hint = false} : vector<128x8xf32>, vector<8x1024xf32>, vector<128x1024xf32> -> vector<128x1024xf32>
      %get3A_41 = arith.constant 0 : index
      %get3A_42 = arith.constant 0 : index
      %get3A_43 = vector.load %arg9[%get3A_41, %get3A_42] : memref<8x1xf32, #tpu.memory_space<vmem>>, vector<8x1xf32>
      %dot_general3A_44 = arith.constant dense<0.000000e+00> : vector<128x1xf32>
      %dot_general3A_45 = tpu.matmul %get3A_35, %get3A_43, %dot_general3A_44 {dimension_numbers = #tpu.dot_dimension_numbers<[1], [0], [0], [1], [0, 0, 1, 1], [], []>, transpose_lhs_hint = false} : vector<128x8xf32>, vector<8x1xf32>, vector<128x1xf32> -> vector<128x1xf32>
      %add3A = arith.addf %dot_general3A_32, %dot_general3A_40 : vector<128x1024xf32>
      %mul3A = vector.broadcast %dot_general3A_45 : vector<128x1xf32> to vector<128x1024xf32>
      %mul3A_46 = arith.mulf %add3A, %mul3A : vector<128x1024xf32>
      %swap3A = arith.constant 0 : index
      %swap3A_47 = arith.constant 0 : index
      %swap3A_48 = vector.load %arg12[%swap3A, %swap3A_47] : memref<128x1024xf32, #tpu.memory_space<vmem>>, vector<128x1024xf32>
      tpu.vector_store %arg12[%swap3A, %swap3A_47], %mul3A_46 {strides = array<i32>} : memref<128x1024xf32, #tpu.memory_space<vmem>>, vector<128x1024xf32>,
    } else {
    }
    return
  }
  func.func @transform_0(%arg0: i32, %arg1: i32) -> (i32, i32) {
    %c0_i32 = arith.constant 0 : i32
    %c0_i32_0 = arith.constant 0 : i32
    %c0_i32_1 = arith.constant 0 : i32
    return %c0_i32, %c0_i32_0 : i32, i32
  }
  func.func @transform_1(%arg0: i32, %arg1: i32) -> (i32, i32) {
    %c0_i32 = arith.constant 0 : i32
    %c0_i32_0 = arith.constant 0 : i32
    %c0_i32_1 = arith.constant 0 : i32
    return %c0_i32, %c0_i32_0 : i32, i32
  }
  func.func @transform_2(%arg0: i32, %arg1: i32) -> (i32, i32) {
    %c0_i32 = arith.constant 0 : i32
    %c0_i32_0 = arith.constant 0 : i32
    %c0_i32_1 = arith.constant 0 : i32
    return %c0_i32, %c0_i32_0 : i32, i32
  }
  func.func @transform_3(%arg0: i32, %arg1: i32) -> (i32, i32, i32) {
    %c0_i32 = arith.constant 0 : i32
    %c0_i32_0 = arith.constant 0 : i32
    return %arg0, %c0_i32, %arg1 : i32, i32, i32
  }
  func.func @transform_4(%arg0: i32, %arg1: i32) -> (i32, i32, i32) {
    %c0_i32 = arith.constant 0 : i32
    %c0_i32_0 = arith.constant 0 : i32
    return %arg0, %c0_i32, %arg1 : i32, i32, i32
  }
  func.func @transform_5(%arg0: i32, %arg1: i32) -> (i32, i32, i32) {
    %c0_i32 = arith.constant 0 : i32
    %c0_i32_0 = arith.constant 0 : i32
    return %arg0, %arg1, %c0_i32 : i32, i32, i32
  }
  func.func @transform_6(%arg0: i32, %arg1: i32) -> (i32, i32) {
    %c0_i32 = arith.constant 0 : i32
    %c0_i32_0 = arith.constant 0 : i32
    %c0_i32_1 = arith.constant 0 : i32
    return %c0_i32, %c0_i32_0 : i32, i32
  }
  func.func @transform_7(%arg0: i32, %arg1: i32) -> (i32, i32) {
    %c0_i32 = arith.constant 0 : i32
    %c0_i32_0 = arith.constant 0 : i32
    %c0_i32_1 = arith.constant 0 : i32
    return %c0_i32, %c0_i32_0 : i32, i32
  }
  func.func @transform_8(%arg0: i32, %arg1: i32) -> (i32, i32) {
    %c0_i32 = arith.constant 0 : i32
    %c0_i32_0 = arith.constant 0 : i32
    %c0_i32_1 = arith.constant 0 : i32
    return %c0_i32, %c0_i32_0 : i32, i32
  }
  func.func @transform_9(%arg0: i32, %arg1: i32) -> (i32, i32) {
    %c0_i32 = arith.constant 0 : i32
    %c0_i32_0 = arith.constant 0 : i32
    %c0_i32_1 = arith.constant 0 : i32
    return %c0_i32, %c0_i32_0 : i32, i32
  }
  func.func @transform_10(%arg0: i32, %arg1: i32) -> (i32, i32) {
    %c0_i32 = arith.constant 0 : i32
    %c0_i32_0 = arith.constant 0 : i32
    %c0_i32_1 = arith.constant 0 : i32
    return %c0_i32, %c0_i32_0 : i32, i32
  }
}

</mosaic_0001>

<sc_bundles>
// kernel: kernel.5.cloned.1.call-start
scs
__scs_entry_jumppad:
0x0: {  	(pc) =	sbr.rel $0x88, $3  }
0x1: {  	(tag) =	ssettag $0x0;
	lr =	simm.s32 $0x1  }
0x2: {  	[smem:$0x3F99] =	sst lr;
	_ =	strace $0xD0000000  }
0x3: {  	_ = 	snop  }
0x4: {  	_ = 	snop  }
0x5: {  	_ = 	snop  }
0x6: {  	_ = 	snop  }
0x7: {  	_ = 	snop  }
__scs_overlays_trampoline_lowered:
0x8: {  	[smem:$0x3FA8] =	sst s0  }
0x9: {  	[smem:$0x3FA9] =	sst s1  }
0xa: {  	[smem:$0x3FAA] =	sst s2  }
0xb: {  	[smem:$0x3FAB] =	sst s3  }
0xc: {  	[smem:$0x3FAC] =	sst s4  }
0xd: {  	[smem:$0x3FAD] =	sst s5  }
0xe: {  	[smem:$0x3FAE] =	sst s6  }
0xf: {  	[smem:$0x3FAF] =	sst s7  }
0x10: {  	[smem:$0x3FB0] =	sst s8  }
0x11: {  	[smem:$0x3FB1] =	sst s9;
	s0 =	simm.s32 @!p0 $0x0  }
0x12: {  	s1 =	sld [smem:$0x3F97];
	s0 =	simm.s32 @p0 $0x1  }
0x13: {  	[smem:$0x3FB2] =	sst s0;
	s0 =	simm.s32 @!p1 $0x0  }
0x14: {  	s2 =	sld [smem:$0x3F96];
	s0 =	simm.s32 @p1 $0x1  }
0x15: {  	[smem:$0x3FB3] =	sst s0;
	s0 =	simm.s32 @!p2 $0x0  }
0x16: {  	s3 =	sld [smem:$0x3FDB];
	s0 =	simm.s32 @p2 $0x1  }
0x17: {  	s4 =	simm.s32 $0x1BF5;
	[smem:$0x3FB5] =	sst s0  }
0x18: {  	s0 =	sld [smem:$0x3F98];
	_ =	swait.ge [sflag:s4], $0x0  }
0x19: {  	s7 =	sld [smem:$0x3F99]  }
0x1a: {  	s8 =	sadd.s32 $0xFFFFE003, lr  }
0x1b: {  	s9 =	sadd.s32 $0xFFFFFEF7, lr;
	s5 =	simm.s32 $0xFFFFFFFF;
	p2 =	slt.u32 s8, $0xFFFFF086  }
0x1c: {  	p1 =	slt.u32 s9, $0xF7A;
	s5 =	simm.s32 @!p2 $0x0  }
0x1d: {  	s5 =	simm.s32 @p1 $0x1;
	p0 =	seq.s32 s7, s2  }
0x1e: {  	s7 =	smul.u32 @!p0 $0xF7A, s2;
	p2 =	seq.s32 @!p0 s5, $0x0  }
0x1f: {  	s9 =	smul.u32 $0xF7A, s1;
	s8 =	simm.s32 @!p0 $0x1BF5;
	p2 =	por !p2, p0  }
0x20: {  	[sflag:s8] =	ssyncset.s32 @!p0 $0xFFFFF086;
	s6 =	sadd.s32 @!p0 s3, s7;
	s7 =	simm.s32 @!p0 $0x108  }
0x21: {  	s3 =	sadd.s32 s3, s9;
	s6 =	sadd.s32 @!p0 $0x88, s6;
	s7 =	simm.s32 @p2 $0x1082  }
0x22: {  	[simem:s7], [sflag:s8] =	dma.local @!p0 [hbm:s6], $0xF7A  }
0x23: {  	s9 =	sor.u32 $0xD0000000, s2;
	s6 =	simm.s32 $0x108;
	_ =	swait.ge @!p0 [sflag:s8], $0x0  }
0x24: {  	s3 =	sadd.s32 $0x88, s3;
	s6 =	simm.s32 @!p1 $0x1082;
	[sflag:s4] =	ssyncset.s32 $0xFFFFF086  }
0x25: {  	[simem:s6], [sflag:s4] =	dma.local [hbm:s3], $0xF7A  }
0x26: {  	[smem:$0x3F99] =	sst s1;
	(tag) =	ssettag s2;
	_ =	strace s9  }
0x27: {  	s1 =	sld [smem:$0x3FA9]  }
0x28: {  	s2 =	sld [smem:$0x3FAA]  }
0x29: {  	s4 =	sld [smem:$0x3FAC]  }
0x2a: {  	p0 =	seq.s32 s5, $0x0;
	s5 =	sld [smem:$0x3FAD]  }
0x2b: {  	s6 =	sld [smem:$0x3FAE]  }
0x2c: {  	s7 =	sld [smem:$0x3FAF]  }
0x2d: {  	s3 =	simm.s32 $0x108;
	s8 =	sld [smem:$0x3FB0]  }
0x2e: {  	s3 =	simm.s32 @!p0 $0x1082;
	s9 =	sld [smem:$0x3FB1]  }
0x2f: {  	lr =	sadd.s32 s0, s3;
	s0 =	sld [smem:$0x3FA8]  }
0x30: {  	s3 =	sld [smem:$0x3FAB]  }
0x31: {  	[smem:$0x3FB4] =	sst s10  }
0x32: {  	s10 =	sld [smem:$0x3FB2];
	_ =	sdelay $0x3  }
0x33: {  	p0 =	seq.s32 s10, $0x1;
	s10 =	sld [smem:$0x3FB4];
	_ =	sdelay $0x3  }
0x34: {  	[smem:$0x3FB4] =	sst s10  }
0x35: {  	s10 =	sld [smem:$0x3FB3];
	_ =	sdelay $0x3  }
0x36: {  	p1 =	seq.s32 s10, $0x1;
	s10 =	sld [smem:$0x3FB4];
	_ =	sdelay $0x3  }
0x37: {  	[smem:$0x3FB4] =	sst s10  }
0x38: {  	s10 =	sld [smem:$0x3FB5]  }
0x39: {  	_ = 	snop;
	(pc) =	sbr.ind lr, $3  }
0x3a: {  	_ = 	snop  }
0x3b: {  	_ = 	snop  }
0x3c: {  	p2 =	seq.s32 s10, $0x1;
	s10 =	sld [smem:$0x3FB4]  }
0x3d: {  	_ =	shalt  }
0x3e: {  	_ =	shalt  }
0x3f: {  	_ =	shalt  }
0x40: {  	_ =	shalt  }
0x41: {  	_ =	shalt  }
0x42: {  	_ =	shalt  }
0x43: {  	_ =	shalt  }
0x44: {  	_ =	shalt  }
0x45: {  	_ =	shalt  }
0x46: {  	_ =	shalt  }
0x47: {  	_ =	shalt  }
0x48: {  	_ =	shalt  }
0x49: {  	_ =	shalt  }
0x4a: {  	_ =	shalt  }
0x4b: {  	_ =	shalt  }
0x4c: {  	_ =	shalt  }
0x4d: {  	_ =	shalt  }
0x4e: {  	_ =	shalt  }
0x4f: {  	_ =	shalt  }
0x50: {  	_ =	shalt  }
0x51: {  	_ =	shalt  }
0x52: {  	_ =	shalt  }
0x53: {  	_ =	shalt  }
0x54: {  	_ =	shalt  }
0x55: {  	_ =	shalt  }
0x56: {  	_ =	shalt  }
0x57: {  	_ =	shalt  }
0x58: {  	_ =	shalt  }
0x59: {  	_ =	shalt  }
0x5a: {  	_ =	shalt  }
0x5b: {  	_ =	shalt  }
0x5c: {  	_ =	shalt  }
0x5d: {  	_ =	shalt  }
0x5e: {  	_ =	shalt  }
0x5f: {  	_ =	shalt  }
0x60: {  	_ =	shalt  }
0x61: {  	_ =	shalt  }
0x62: {  	_ =	shalt  }
0x63: {  	_ =	shalt  }
0x64: {  	_ =	shalt  }
0x65: {  	_ =	shalt  }
0x66: {  	_ =	shalt  }
0x67: {  	_ =	shalt  }
0x68: {  	_ =	shalt  }
0x69: {  	_ =	shalt  }
0x6a: {  	_ =	shalt  }
0x6b: {  	_ =	shalt  }
0x6c: {  	_ =	shalt  }
0x6d: {  	_ =	shalt  }
0x6e: {  	_ =	shalt  }
0x6f: {  	_ =	shalt  }
0x70: {  	_ =	shalt  }
0x71: {  	_ =	shalt  }
0x72: {  	_ =	shalt  }
0x73: {  	_ =	shalt  }
0x74: {  	_ =	shalt  }
0x75: {  	_ =	shalt  }
0x76: {  	_ =	shalt  }
0x77: {  	_ =	shalt  }
0x78: {  	_ =	shalt  }
0x79: {  	_ =	shalt  }
0x7a: {  	_ =	shalt  }
0x7b: {  	_ =	shalt  }
0x7c: {  	_ =	shalt  }
0x7d: {  	_ =	shalt  }
0x7e: {  	_ =	shalt  }
0x7f: {  	_ =	shalt  }
0x80: {  	_ =	shalt  }
0x81: {  	_ =	shalt  }
0x82: {  	_ =	shalt  }
0x83: {  	_ =	shalt  }
0x84: {  	_ =	shalt  }
0x85: {  	_ =	shalt  }
0x86: {  	_ =	shalt  }
0x87: {  	_ =	shalt  }
.Lfunc_end0:
.L_simem_size_0:
called_computation_lowered:
.L_overlay_start_0:
0x88: {  	s2 =	sld [smem:$0x3FD9]  }
0x89: {  	s3 =	sld [smem:$0x3FFE];
	_ =	sdelay $0x1  }
0x8a: {  	s1 =	srdreg.scid  }
0x8b: {  	s0 =	sand.u32 $0x1, s1  }
0x8c: {  	s14 =	sshll.u32 s0, $0xA;
	s2 =	sadd.s32 s3, s2  }
0x8d: {  	s2 =	sadd.s32 s2, s14  }
0x8e: {  	[smem:$0x3FC0] =	sst s2  }
0x8f: {  	_ = 	snop  }
0x90: {  	s2 =	sld [smem:$0x3FD0];
	_ =	sdelay $0x2  }
0x91: {  	s4 =	simm.s32 $0xA;
	s5 =	simm.s32 $0x10;
	s15 =	sld [smem:$0x3FC8]  }
0x92: {  	[smem:s5], [sflag:s4] =	dma.local [hbm:s2], $0x1  }
0x93: {  	_ =	swait.eq [sflag:s4], $0x1  }
0x94: {  	[sflag:s4] =	ssyncset.done $0x0  }
0x95: {  	[sflag:s4] =	ssyncadd.s32 $0xFFFFFFFF  }
0x96: {  	s16 =	sld [smem:$0x10];
	(tm) =	ssettm $0x1  }
0x97: {  	s17 =	sld [smem:$0x3FFB];
	_ =	sdelay $0x3  }
0x98: {  	_ =	strace s17  }
0x99: {  	s4 =	sld [smem:$0x3FFC];
	_ =	sdelay $0x3  }
0x9a: {  	_ =	strace s4  }
0x9b: {  	s4 =	sld [smem:$0x3FFD];
	_ =	sdelay $0x3  }
0x9c: {  	_ =	strace s4  }
0x9d: {  	_ =	strace $0x8FFFFFFF  }
0x9e: {  	s18 =	sld [smem:$0x3FDB];
	_ =	sdelay $0x1  }
0x9f: {  	s19 =	simm.s32 $_scs_section_size  }
0xa0: {  	s6 =	simm.s32 $_size__tile_overlayer_lowered;
	s7 =	simm.s32 $_tile_overlayer_lowered  }
0xa1: {  	s22 =	simm.s32 $0x1BFF;
	s21 =	sshll.u32 s7, $0x1;
	s4 =	sadd.s32 s19, s18  }
0xa2: {  	s8 =	simm.s32 $0x0;
	s20 =	sshll.u32 s6, $0x1;
	s6 =	sadd.s32 s21, s4  }
0xa3: {  	[timem:s8], [sflag:s22] =	dma.local [hbm:s6], s20  }
0xa4: {  	_ =	swait.ge [sflag:s22], s20  }
0xa5: {  	s5 =	ssub.s32 $0x0, s20;
	[sflag:s22] =	ssyncset.done $0x0  }
0xa6: {  	[sflag:s22] =	ssyncadd.s32 s5;
	_ =	sdelay $0x1  }
0xa7: {  	s23 =	simm.s32 $0x1B8B  }
0xa8: {  	_ =	swait.ge [sflag:s23], $0x1  }
0xa9: {  	[sflag:s23] =	ssyncset.done $0x0  }
0xaa: {  	s25 =	simm.s32 $0x1B8E;
	s24 =	sld [smem:$0x3FFE];
	[sflag:s23] =	ssyncadd.s32 $0xFFFFFFFF  }
0xab: {  	s26 =	simm.s32 $execute0_lowered;
	[smem:$0x3FD2] =	sst s25  }
0xac: {  	s6 =	sshll.u32 s26, $0x1;
	_ =	strace $0x80000046;
	[dreg:$0x1] =	wrdreg $0xFFFFFFFF  }
0xad: {  	s28 =	simm.s32 $_size_execute0_lowered;
	s4 =	sadd.s32 s4, s6;
	[dreg:$0x0] =	wrdreg $0x0  }
0xae: {  	s6 =	sshll.u32 s28, $0x1;
	[dreg:$0x2] =	wrdreg s4  }
0xaf: {  	[dreg:$0x3] =	wrdreg s6  }
0xb0: {  	[dreg:$0x4] =	wrdreg $0xC0  }
0xb1: {  	_ =	task [dreg:s8], $0x5FFFF  }
0xb2: {  	[dreg:$0x1] =	wrdreg $0xFFFFFFFF  }
0xb3: {  	[dreg:$0x0] =	wrdreg $0x60  }
0xb4: {  	[dreg:$0x2] =	wrdreg s24  }
0xb5: {  	[dreg:$0x3] =	wrdreg s15  }
0xb6: {  	[dreg:$0x4] =	wrdreg s16  }
0xb7: {  	[dreg:$0x5] =	wrdreg $0x9  }
0xb8: {  	_ =	task.clear_ibuf [dreg:s8], $0x6FFFF;
	_ =	strace $0x90000046  }
0xb9: {  	s29 =	simm.s32 $0x9;
	_ =	strace $0x80000048  }
0xba: {  	_ =	swait.ge [sflag:s29], $0x1  }
0xbb: {  	[sflag:s29] =	ssyncadd.s32 $0xFFFFFFFF  }
0xbc: {  	_ =	strace $0x90000048  }
0xbd: {  	_ =	sfence  }
0xbe: {  	s30 =	sld [smem:$0x0];
	_ =	sdelay $0x2  }
0xbf: {  	s31 =	sshll.u32 s1, $0xD;
	s1 =	sshrl.u32 s1, $0x2  }
0xc0: {  	s3 =	sand.u32 $0x4000, s31;
	s1 =	sadd.s32 s1, s30  }
0xc1: {  	s0 =	sor.u32 s3, s0;
	s1 =	sshll.u32 s1, $0x11  }
0xc2: {  	s0 =	sor.u32 s1, s0  }
0xc3: {  	s0 =	sadd.s32 $0x8F2B, s0  }
0xc4: {  	[sflag:s0] =	ssyncadd.remote.s32 $0x1  }
0xc5: {  	_ =	sfence.sel $0xFFFF  }
0xc6: {  	[dreg:$0x0] =	wrdreg $0xFFFFFFFF;
	(pc) =	sbr.abs _section_cstart, $3  }
0xc7: {  	[dreg:$0x1] =	wrdreg $0xFFFFFFFF  }
0xc8: {  	_ =	task.clear_ibuf [dreg:s8], $0x2FFFF;
	_ =	strace $0x9FFFFFFF  }
0xc9: {  	(tm) =	ssettm $0x7FFFFFFF  }
tec
execute0_lowered:
.L_overlay_start_1:
0x0: {  	(tag) =	ssettag $0x1  }
0x1: {  	s0 =	rddreg [dreg:$0x0]  }
0x2: {  	s1 =	rddreg [dreg:$0x1]  }
0x3: {  	s2 =	rddreg [dreg:$0x2];
	s4 =	srdreg.scid;
	s3 =	simm.s32 $0x0  }
0x4: {  	s9 =	stileid.u32;
	s10 =	simm.s32 $0x3;
	s29 =	simm.s32 $0x8880  }
0x5: {  	s30 =	simm.s32 $0x9080;
	s31 =	simm.s32 $0x9880;
	s11 =	simm.s32 $0xB080  }
0x6: {  	s12 =	simm.s32 $0xB880;
	s13 =	simm.s32 $0xC080;
	s14 =	simm.s32 $0xC880  }
0x7: {  	s15 =	simm.s32 $0xD080;
	s16 =	simm.s32 $0xD880;
	s17 =	simm.s32 $0xE080  }
0x8: {  	s18 =	simm.s32 $0xF080;
	s19 =	simm.s32 $0xF880;
	s20 =	simm.s32 $0x1  }
0x9: {  	s21 =	simm.s32 $0x2;
	s22 =	simm.s32 $0x0;
	s4 =	sand.u32 $0x1, s4  }
0xa: {  	s5 =	sshll.u32 s9, $0x5;
	[smem:$0x7FF] =	sst s3;
	s26 =	sshll.u32 s9, $0xA  }
0xb: {  	s6 =	sshll.u32 s4, $0x4;
	s7 =	ssub.s32 $0x2, s4;
	_ =	strace $0x80000047  }
0xc: {  	s4 =	sshll.u32 s4, $0x6;
	s5 =	sor.u32 s6, s5;
	s25 =	sshrl.u32 s7, $0x1  }
0xd: {  	s6 =	sadd.s32 $0x200, s1;
	s2 =	sadd.s32 s2, s4;
	s0 =	sadd.s32 s5, s0  }
0xe: {  	s4 =	simm.s32 $0xE880;
	s8 =	ssub.s32 s7, s25;
	s0 =	sadd.s32 $0x1400, s0  }
0xf: {  	v2 =	vlaneseq.u32;
	s5 =	sadd.s32 $0x100, s1;
	s28 =	smax.u32 s8, $0x1;
	[dreg:$0x4] =	wrdreg s0  }
0x10: {  	vm0 =	vmmov $0xffff;
	v1 =	vshrl.u32 v2, $0x3;
	s7 =	sadd.s32 $0x300, s1;
	s0 =	sadd.s32 s26, s2;
	[dreg:$0x6] =	wrdreg s28  }
0x11: {  	v0 =	vand.u32 $0x7, v2;
	v2 =	vor.u32 $0x8, v2;
	v1 =	vmul.u32 $0x8, v1;
	s2 =	simm.s32 $0xA880;
	[dreg:$0x5] =	wrdreg s0;
	s0 =	simm.s32 $0xA080  }
.LBB2_1:
0x12: {  	s8 =	rddreg [dreg:$0x4]  }
0x13: {  	[tilespmem:s3], [sflag:$0x3] =	stream.linear.gather [hbm4b:s8+s3], $0x80, $0x38;
	[tilespmem:$0x11080] =	vst v63  }
0x14: {  	_ =	swait.ge [sflag:s10], $0x80  }
0x15: {  	[sflag:s10] =	ssyncset.done $0x0  }
0x16: {  	[sflag:s10] =	ssyncadd.s32 $0xFFFFFF80  }
0x17: {  	v3 =	vld [tilespmem:$0x0];
	_ =	sdelay $0x4  }
0x18: {  	v4 =	vshll.u32 v3, $0x3  }
0x19: {  	v3 =	vand.u32 $0x7, v3;
	v4 =	vand.u32 $0xFFFFFFC0, v4  }
0x1a: {  	v3 =	vor.u32 v3, v4  }
0x1b: {  	v4 =	vperm.xlane v3, v0;
	_ =	sdelay $0x1  }
0x1c: {  	v4 =	vadd.s32 v1, v4;
	_ =	sdelay $0x3  }
0x1d: {  	s9 =	simm.s32 $0x80  }
0x1e: {  	[tilespmem:s9], [sflag:$0x1] =	stream.indirect_vreg.gather [hbm4b:s1+s3], $0x80, v4, vm0, $0xb8;
	[tilespmem:$0x11080] =	vst v63  }
0x1f: {  	s23 =	simm.s32 $0x880;
	v3 =	vperm.xlane v3, v2  }
0x20: {  	[tilespmem:s23], [sflag:$0x1] =	stream.indirect_vreg.gather [hbm4b:s5+s3], $0x80, v4, vm0, $0xb8;
	[tilespmem:$0x11080] =	vst v63  }
0x21: {  	s24 =	simm.s32 $0x1080;
	v3 =	vadd.s32 v1, v3  }
0x22: {  	[tilespmem:s24], [sflag:$0x1] =	stream.indirect_vreg.gather [hbm4b:s6+s3], $0x80, v4, vm0, $0xb8;
	[tilespmem:$0x11080] =	vst v63  }
0x23: {  	s25 =	simm.s32 $0x1880  }
0x24: {  	[tilespmem:s25], [sflag:$0x1] =	stream.indirect_vreg.gather [hbm4b:s7+s3], $0x80, v4, vm0, $0xb8;
	[tilespmem:$0x11080] =	vst v63  }
0x25: {  	s26 =	simm.s32 $0x2080  }
0x26: {  	[tilespmem:s26], [sflag:$0x1] =	stream.indirect_vreg.gather [hbm4b:s1+s3], $0x80, v3, vm0, $0xb8;
	[tilespmem:$0x11080] =	vst v63  }
0x27: {  	s28 =	simm.s32 $0x2880  }
0x28: {  	[tilespmem:s28], [sflag:$0x1] =	stream.indirect_vreg.gather [hbm4b:s5+s3], $0x80, v3, vm0, $0xb8;
	[tilespmem:$0x11080] =	vst v63  }
0x29: {  	s9 =	simm.s32 $0x3080  }
0x2a: {  	[tilespmem:s9], [sflag:$0x1] =	stream.indirect_vreg.gather [hbm4b:s6+s3], $0x80, v3, vm0, $0xb8;
	[tilespmem:$0x11080] =	vst v63  }
0x2b: {  	s23 =	simm.s32 $0x3880  }
0x2c: {  	[tilespmem:s23], [sflag:$0x1] =	stream.indirect_vreg.gather [hbm4b:s7+s3], $0x80, v3, vm0, $0xb8;
	[tilespmem:$0x11080] =	vst v63  }
0x2d: {  	v3 =	vld [tilespmem:$0x10];
	_ =	sdelay $0x4  }
0x2e: {  	v4 =	vshll.u32 v3, $0x3  }
0x2f: {  	v3 =	vand.u32 $0x7, v3;
	v4 =	vand.u32 $0xFFFFFFC0, v4  }
0x30: {  	v3 =	vor.u32 v3, v4  }
0x31: {  	v4 =	vperm.xlane v3, v0;
	_ =	sdelay $0x1  }
0x32: {  	v4 =	vadd.s32 v1, v4;
	_ =	sdelay $0x3  }
0x33: {  	s24 =	simm.s32 $0x4080  }
0x34: {  	[tilespmem:s24], [sflag:$0x1] =	stream.indirect_vreg.gather [hbm4b:s1+s3], $0x80, v4, vm0, $0xb8;
	[tilespmem:$0x11080] =	vst v63  }
0x35: {  	s25 =	simm.s32 $0x4880;
	v3 =	vperm.xlane v3, v2  }
0x36: {  	[tilespmem:s25], [sflag:$0x1] =	stream.indirect_vreg.gather [hbm4b:s5+s3], $0x80, v4, vm0, $0xb8;
	[tilespmem:$0x11080] =	vst v63  }
0x37: {  	s26 =	simm.s32 $0x5080;
	v3 =	vadd.s32 v1, v3  }
0x38: {  	[tilespmem:s26], [sflag:$0x1] =	stream.indirect_vreg.gather [hbm4b:s6+s3], $0x80, v4, vm0, $0xb8;
	[tilespmem:$0x11080] =	vst v63  }
0x39: {  	s28 =	simm.s32 $0x5880  }
0x3a: {  	[tilespmem:s28], [sflag:$0x1] =	stream.indirect_vreg.gather [hbm4b:s7+s3], $0x80, v4, vm0, $0xb8;
	[tilespmem:$0x11080] =	vst v63  }
0x3b: {  	s9 =	simm.s32 $0x6080  }
0x3c: {  	[tilespmem:s9], [sflag:$0x1] =	stream.indirect_vreg.gather [hbm4b:s1+s3], $0x80, v3, vm0, $0xb8;
	[tilespmem:$0x11080] =	vst v63  }
0x3d: {  	s23 =	simm.s32 $0x6880  }
0x3e: {  	[tilespmem:s23], [sflag:$0x1] =	stream.indirect_vreg.gather [hbm4b:s5+s3], $0x80, v3, vm0, $0xb8;
	[tilespmem:$0x11080] =	vst v63  }
0x3f: {  	s24 =	simm.s32 $0x7080  }
0x40: {  	[tilespmem:s24], [sflag:$0x1] =	stream.indirect_vreg.gather [hbm4b:s6+s3], $0x80, v3, vm0, $0xb8;
	[tilespmem:$0x11080] =	vst v63  }
0x41: {  	s25 =	simm.s32 $0x7880  }
0x42: {  	[tilespmem:s25], [sflag:$0x1] =	stream.indirect_vreg.gather [hbm4b:s7+s3], $0x80, v3, vm0, $0xb8;
	[tilespmem:$0x11080] =	vst v63  }
0x43: {  	v3 =	vld [tilespmem:$0x20];
	_ =	sdelay $0x4  }
0x44: {  	v4 =	vshll.u32 v3, $0x3  }
0x45: {  	v3 =	vand.u32 $0x7, v3;
	v4 =	vand.u32 $0xFFFFFFC0, v4  }
0x46: {  	v3 =	vor.u32 v3, v4  }
0x47: {  	v4 =	vperm.xlane v3, v0;
	_ =	sdelay $0x1  }
0x48: {  	v4 =	vadd.s32 v1, v4;
	_ =	sdelay $0x3  }
0x49: {  	s26 =	simm.s32 $0x8080  }
0x4a: {  	[tilespmem:s26], [sflag:$0x2] =	stream.indirect_vreg.gather [hbm4b:s1+s3], $0x80, v4, vm0, $0xb8;
	[tilespmem:$0x11080] =	vst v63  }
0x4b: {  	v3 =	vperm.xlane v3, v2  }
0x4c: {  	[tilespmem:s29], [sflag:$0x2] =	stream.indirect_vreg.gather [hbm4b:s5+s3], $0x80, v4, vm0, $0xb8;
	[tilespmem:$0x11080] =	vst v63  }
0x4d: {  	v3 =	vadd.s32 v1, v3  }
0x4e: {  	[tilespmem:s30], [sflag:$0x2] =	stream.indirect_vreg.gather [hbm4b:s6+s3], $0x80, v4, vm0, $0xb8;
	[tilespmem:$0x11080] =	vst v63  }
0x4f: {  	_ = 	snop  }
0x50: {  	[tilespmem:s31], [sflag:$0x2] =	stream.indirect_vreg.gather [hbm4b:s7+s3], $0x80, v4, vm0, $0xb8;
	[tilespmem:$0x11080] =	vst v63  }
0x51: {  	_ = 	snop  }
0x52: {  	[tilespmem:s0], [sflag:$0x2] =	stream.indirect_vreg.gather [hbm4b:s1+s3], $0x80, v3, vm0, $0xb8;
	[tilespmem:$0x11080] =	vst v63  }
0x53: {  	_ = 	snop  }
0x54: {  	[tilespmem:s2], [sflag:$0x2] =	stream.indirect_vreg.gather [hbm4b:s5+s3], $0x80, v3, vm0, $0xb8;
	[tilespmem:$0x11080] =	vst v63  }
0x55: {  	_ = 	snop  }
0x56: {  	[tilespmem:s11], [sflag:$0x2] =	stream.indirect_vreg.gather [hbm4b:s6+s3], $0x80, v3, vm0, $0xb8;
	[tilespmem:$0x11080] =	vst v63  }
0x57: {  	_ = 	snop  }
0x58: {  	[tilespmem:s12], [sflag:$0x2] =	stream.indirect_vreg.gather [hbm4b:s7+s3], $0x80, v3, vm0, $0xb8;
	[tilespmem:$0x11080] =	vst v63  }
0x59: {  	v3 =	vld [tilespmem:$0x30];
	_ =	sdelay $0x4  }
0x5a: {  	v4 =	vshll.u32 v3, $0x3  }
0x5b: {  	v3 =	vand.u32 $0x7, v3;
	v4 =	vand.u32 $0xFFFFFFC0, v4  }
0x5c: {  	v3 =	vor.u32 v3, v4  }
0x5d: {  	v4 =	vperm.xlane v3, v0;
	_ =	sdelay $0x1  }
0x5e: {  	v4 =	vadd.s32 v1, v4;
	_ =	sdelay $0x4  }
0x5f: {  	[tilespmem:s13], [sflag:$0x2] =	stream.indirect_vreg.gather [hbm4b:s1+s3], $0x80, v4, vm0, $0xb8;
	[tilespmem:$0x11080] =	vst v63  }
0x60: {  	v3 =	vperm.xlane v3, v2  }
0x61: {  	[tilespmem:s14], [sflag:$0x2] =	stream.indirect_vreg.gather [hbm4b:s5+s3], $0x80, v4, vm0, $0xb8;
	[tilespmem:$0x11080] =	vst v63  }
0x62: {  	v3 =	vadd.s32 v1, v3  }
0x63: {  	[tilespmem:s15], [sflag:$0x2] =	stream.indirect_vreg.gather [hbm4b:s6+s3], $0x80, v4, vm0, $0xb8;
	[tilespmem:$0x11080] =	vst v63  }
0x64: {  	_ = 	snop  }
0x65: {  	[tilespmem:s16], [sflag:$0x2] =	stream.indirect_vreg.gather [hbm4b:s7+s3], $0x80, v4, vm0, $0xb8;
	[tilespmem:$0x11080] =	vst v63  }
0x66: {  	_ = 	snop  }
0x67: {  	[tilespmem:s17], [sflag:$0x2] =	stream.indirect_vreg.gather [hbm4b:s1+s3], $0x80, v3, vm0, $0xb8;
	[tilespmem:$0x11080] =	vst v63  }
0x68: {  	_ = 	snop  }
0x69: {  	[tilespmem:s4], [sflag:$0x2] =	stream.indirect_vreg.gather [hbm4b:s5+s3], $0x80, v3, vm0, $0xb8;
	[tilespmem:$0x11080] =	vst v63  }
0x6a: {  	_ = 	snop  }
0x6b: {  	[tilespmem:s18], [sflag:$0x2] =	stream.indirect_vreg.gather [hbm4b:s6+s3], $0x80, v3, vm0, $0xb8;
	[tilespmem:$0x11080] =	vst v63  }
0x6c: {  	_ = 	snop  }
0x6d: {  	[tilespmem:s19], [sflag:$0x2] =	stream.indirect_vreg.gather [hbm4b:s7+s3], $0x80, v3, vm0, $0xb8;
	[tilespmem:$0x11080] =	vst v63  }
0x6e: {  	s28 =	simm.s32 $0x0;
	_ =	swait.ge [sflag:s20], $0x8000  }
0x6f: {  	s8 =	sand.u32 $0x3FFFFC00, s28;
	s23 =	sand.u32 $0x70, s3;
	[sflag:s20] =	ssyncset.done $0x0  }
0x70: {  	s25 =	sor.u32 s23, s8;
	[sflag:s20] =	ssyncadd.s32 $0xFFFF8000  }
0x71: {  	v23 =	vld [tilespmem:s25+$0x100]  }
0x72: {  	v24 =	vld [tilespmem:s25+$0x80]  }
0x73: {  	v25 =	vld [tilespmem:s25+$0x180]  }
0x74: {  	v26 =	vld [tilespmem:s25+$0x200]  }
0x75: {  	v27 =	vld [tilespmem:s25+$0x280]  }
0x76: {  	v28 =	vld [tilespmem:s25+$0x300]  }
0x77: {  	v29 =	vld [tilespmem:s25+$0x380]  }
0x78: {  	v30 =	vld [tilespmem:s25+$0x400]  }
0x79: {  	v3 =	vld [tilespmem:s25+$0x2080]  }
0x7a: {  	v5 =	vld [tilespmem:s25+$0x2100]  }
0x7b: {  	v7 =	vld [tilespmem:s25+$0x2180]  }
0x7c: {  	v10 =	vld [tilespmem:s25+$0x2200]  }
0x7d: {  	v9 =	vld [tilespmem:s25+$0x2280]  }
0x7e: {  	v13 =	vld [tilespmem:s25+$0x2300]  }
0x7f: {  	v14 =	vld [tilespmem:s25+$0x2380]  }
0x80: {  	v17 =	vld [tilespmem:s25+$0x2400]  }
0x81: {  	v4 =	vld [tilespmem:s25+$0x4080]  }
0x82: {  	v6 =	vld [tilespmem:s25+$0x4100]  }
0x83: {  	v8 =	vld [tilespmem:s25+$0x4180]  }
0x84: {  	v11 =	vld [tilespmem:s25+$0x4200]  }
0x85: {  	v12 =	vld [tilespmem:s25+$0x4280]  }
0x86: {  	v15 =	vld [tilespmem:s25+$0x4300]  }
0x87: {  	v16 =	vld [tilespmem:s25+$0x4380]  }
0x88: {  	v18 =	vld [tilespmem:s25+$0x4400]  }
0x89: {  	v19 =	vld [tilespmem:s25+$0x6080]  }
0x8a: {  	v20 =	vld [tilespmem:s25+$0x6100]  }
0x8b: {  	v21 =	vld [tilespmem:s25+$0x6180]  }
0x8c: {  	v22 =	vld [tilespmem:s25+$0x6200];
	v24 =	vadd.f32 v23, v24;
	v25 =	vadd.f32 v26, v25  }
0x8d: {  	s9 =	simm.s32 $0x0;
	s24 =	simm.s32 $0x1;
	s8 =	simm.s32 $0x0;
	v23 =	vld [tilespmem:s25+$0x6280];
	v26 =	vadd.f32 v28, v27;
	v27 =	vadd.f32 v30, v29  }
.LBB2_2:
0x8e: {  	p0 =	sne.s32 s24, $0x3F;
	v28 =	vld [tilespmem:s25+$0x6300];
	v3 =	vadd.f32 v5, v3;
	v5 =	vadd.f32 v10, v7  }
0x8f: {  	v9 =	vadd.f32 v13, v9;
	v10 =	vadd.f32 v17, v14;
	v7 =	vld [tilespmem:s25+$0x6380]  }
0x90: {  	v14 =	vadd.f32 v25, v24;
	v17 =	vadd.f32 v27, v26;
	v13 =	vld [tilespmem:s25+$0x6400]  }
0x91: {  	v3 =	vadd.f32 v5, v3;
	v5 =	vadd.f32 v10, v9  }
0x92: {  	v4 =	vadd.f32 v6, v4;
	v6 =	vadd.f32 v11, v8  }
0x93: {  	v8 =	vadd.f32 v15, v12;
	v9 =	vadd.f32 v18, v16  }
0x94: {  	v10 =	vadd.f32 v20, v19;
	v11 =	vadd.f32 v22, v21  }
0x95: {  	v12 =	vadd.f32 v28, v23;
	v7 =	vadd.f32 v13, v7  }
0x96: {  	v4 =	vadd.f32 v6, v4;
	v6 =	vadd.f32 v9, v8  }
0x97: {  	v8 =	vadd.f32 v11, v10;
	v7 =	vadd.f32 v7, v12  }
0x98: {  	v9 =	vadd.f32 v17, v14;
	v3 =	vadd.f32 v5, v3  }
0x99: {  	v4 =	vadd.f32 v6, v4;
	v5 =	vadd.f32 v7, v8;
	_ =	sdelay $0x1  }
0x9a: {  	v3 =	vadd.f32 v3, v9;
	v4 =	vadd.f32 v5, v4;
	_ =	sdelay $0x1  }
0x9b: {  	v3 =	vadd.f32 v4, v3  }
0x9c: {  	s25 =	sshll.u32 s8, $0x6;
	s8 =	smov.u32 s24  }
0x9d: {  	s26 =	sshll.u32 s24, $0x7;
	s9 =	sadd.s32 $0x10, s9;
	s25 =	sand.u32 $0x3FFFFE00, s25;
	v3 =	vmul.f32 $3.125000000e-02, v3  }
0x9e: {  	s26 =	sand.u32 $0x3FFFFC00, s26;
	s28 =	sor.u32 s23, s25;
	s23 =	sand.u32 $0x70, s9  }
0x9f: {  	s25 =	sor.u32 s23, s26;
	[tilespmem:s28+$0x10080] =	vst v3  }
0xa0: {  	v23 =	vld [tilespmem:s25+$0x100]  }
0xa1: {  	v24 =	vld [tilespmem:s25+$0x80]  }
0xa2: {  	v25 =	vld [tilespmem:s25+$0x180]  }
0xa3: {  	v26 =	vld [tilespmem:s25+$0x200]  }
0xa4: {  	v27 =	vld [tilespmem:s25+$0x280]  }
0xa5: {  	v28 =	vld [tilespmem:s25+$0x300]  }
0xa6: {  	v29 =	vld [tilespmem:s25+$0x380]  }
0xa7: {  	v30 =	vld [tilespmem:s25+$0x400]  }
0xa8: {  	v3 =	vld [tilespmem:s25+$0x2080]  }
0xa9: {  	v5 =	vld [tilespmem:s25+$0x2100]  }
0xaa: {  	v7 =	vld [tilespmem:s25+$0x2180]  }
0xab: {  	v10 =	vld [tilespmem:s25+$0x2200]  }
0xac: {  	v9 =	vld [tilespmem:s25+$0x2280]  }
0xad: {  	v13 =	vld [tilespmem:s25+$0x2300]  }
0xae: {  	v14 =	vld [tilespmem:s25+$0x2380]  }
0xaf: {  	v17 =	vld [tilespmem:s25+$0x2400]  }
0xb0: {  	v4 =	vld [tilespmem:s25+$0x4080]  }
0xb1: {  	v6 =	vld [tilespmem:s25+$0x4100]  }
0xb2: {  	v8 =	vld [tilespmem:s25+$0x4180]  }
0xb3: {  	v11 =	vld [tilespmem:s25+$0x4200]  }
0xb4: {  	v12 =	vld [tilespmem:s25+$0x4280]  }
0xb5: {  	v15 =	vld [tilespmem:s25+$0x4300]  }
0xb6: {  	v16 =	vld [tilespmem:s25+$0x4380]  }
0xb7: {  	v18 =	vld [tilespmem:s25+$0x4400]  }
.Ltmp0:
0xb8: {  	v19 =	vld [tilespmem:s25+$0x6080];
	(pc) =	sbr.rel @p0 .LBB2_2-.Ltmp0, $4  }
0xb9: {  	v20 =	vld [tilespmem:s25+$0x6100]  }
0xba: {  	v21 =	vld [tilespmem:s25+$0x6180]  }
0xbb: {  	v24 =	vadd.f32 v23, v24;
	v25 =	vadd.f32 v26, v25;
	v22 =	vld [tilespmem:s25+$0x6200]  }
0xbc: {  	s24 =	sadd.s32 $0x1, s24;
	v26 =	vadd.f32 v28, v27;
	v27 =	vadd.f32 v30, v29;
	v23 =	vld [tilespmem:s25+$0x6280]  }
0xbd: {  	v28 =	vld [tilespmem:s25+$0x6300];
	v3 =	vadd.f32 v5, v3;
	v5 =	vadd.f32 v10, v7  }
0xbe: {  	v7 =	vld [tilespmem:s25+$0x6380];
	v9 =	vadd.f32 v13, v9;
	v10 =	vadd.f32 v17, v14  }
0xbf: {  	v13 =	vld [tilespmem:s25+$0x6400];
	v14 =	vadd.f32 v25, v24;
	v4 =	vadd.f32 v6, v4  }
0xc0: {  	v6 =	vadd.f32 v11, v8;
	v8 =	vadd.f32 v15, v12  }
0xc1: {  	v17 =	vadd.f32 v27, v26;
	v3 =	vadd.f32 v5, v3  }
0xc2: {  	v5 =	vadd.f32 v10, v9;
	v9 =	vadd.f32 v18, v16  }
0xc3: {  	v10 =	vadd.f32 v20, v19;
	v11 =	vadd.f32 v22, v21  }
0xc4: {  	v12 =	vadd.f32 v28, v23;
	v7 =	vadd.f32 v13, v7  }
0xc5: {  	v4 =	vadd.f32 v6, v4;
	v6 =	vadd.f32 v9, v8  }
0xc6: {  	v8 =	vadd.f32 v11, v10;
	v7 =	vadd.f32 v7, v12  }
0xc7: {  	v9 =	vadd.f32 v17, v14;
	v3 =	vadd.f32 v5, v3  }
0xc8: {  	v4 =	vadd.f32 v6, v4;
	v5 =	vadd.f32 v7, v8;
	_ =	sdelay $0x1  }
0xc9: {  	v3 =	vadd.f32 v3, v9;
	v4 =	vadd.f32 v5, v4;
	_ =	sdelay $0x1  }
0xca: {  	v3 =	vadd.f32 v4, v3  }
0xcb: {  	s8 =	sshll.u32 s8, $0x6  }
0xcc: {  	s8 =	sand.u32 $0x3FFFFE00, s8;
	v3 =	vmul.f32 $3.125000000e-02, v3  }
0xcd: {  	s8 =	sor.u32 s23, s8  }
0xce: {  	[tilespmem:s8+$0x10080] =	vst v3  }
0xcf: {  	v3 =	vld [tilespmem:$0x40];
	_ =	sdelay $0x4  }
0xd0: {  	v4 =	vshll.u32 v3, $0x3  }
0xd1: {  	v3 =	vand.u32 $0x7, v3;
	v4 =	vand.u32 $0xFFFFFFC0, v4  }
0xd2: {  	v3 =	vor.u32 v3, v4  }
0xd3: {  	v4 =	vperm.xlane v3, v0;
	_ =	sdelay $0x1  }
0xd4: {  	v4 =	vadd.s32 v1, v4;
	_ =	sdelay $0x3  }
0xd5: {  	s28 =	simm.s32 $0x80;
	s23 =	simm.s32 $0x0  }
0xd6: {  	[tilespmem:s28], [sflag:$0x1] =	stream.indirect_vreg.gather [hbm4b:s1+s23], $0x80, v4, vm0, $0xb8;
	[tilespmem:$0x11080] =	vst v63  }
0xd7: {  	s9 =	simm.s32 $0x880;
	v3 =	vperm.xlane v3, v2  }
0xd8: {  	[tilespmem:s9], [sflag:$0x1] =	stream.indirect_vreg.gather [hbm4b:s5+s23], $0x80, v4, vm0, $0xb8;
	[tilespmem:$0x11080] =	vst v63  }
0xd9: {  	s24 =	simm.s32 $0x1080;
	v3 =	vadd.s32 v1, v3  }
0xda: {  	[tilespmem:s24], [sflag:$0x1] =	stream.indirect_vreg.gather [hbm4b:s6+s23], $0x80, v4, vm0, $0xb8;
	[tilespmem:$0x11080] =	vst v63  }
0xdb: {  	s25 =	simm.s32 $0x1880  }
0xdc: {  	[tilespmem:s25], [sflag:$0x1] =	stream.indirect_vreg.gather [hbm4b:s7+s23], $0x80, v4, vm0, $0xb8;
	[tilespmem:$0x11080] =	vst v63  }
0xdd: {  	s26 =	simm.s32 $0x2080  }
0xde: {  	[tilespmem:s26], [sflag:$0x1] =	stream.indirect_vreg.gather [hbm4b:s1+s23], $0x80, v3, vm0, $0xb8;
	[tilespmem:$0x11080] =	vst v63  }
0xdf: {  	s28 =	simm.s32 $0x2880  }
0xe0: {  	[tilespmem:s28], [sflag:$0x1] =	stream.indirect_vreg.gather [hbm4b:s5+s23], $0x80, v3, vm0, $0xb8;
	[tilespmem:$0x11080] =	vst v63  }
0xe1: {  	s9 =	simm.s32 $0x3080  }
0xe2: {  	[tilespmem:s9], [sflag:$0x1] =	stream.indirect_vreg.gather [hbm4b:s6+s23], $0x80, v3, vm0, $0xb8;
	[tilespmem:$0x11080] =	vst v63  }
0xe3: {  	s24 =	simm.s32 $0x3880  }
0xe4: {  	[tilespmem:s24], [sflag:$0x1] =	stream.indirect_vreg.gather [hbm4b:s7+s23], $0x80, v3, vm0, $0xb8;
	[tilespmem:$0x11080] =	vst v63  }
0xe5: {  	v3 =	vld [tilespmem:$0x50];
	_ =	sdelay $0x4  }
0xe6: {  	v4 =	vshll.u32 v3, $0x3  }
0xe7: {  	v3 =	vand.u32 $0x7, v3;
	v4 =	vand.u32 $0xFFFFFFC0, v4  }
0xe8: {  	v3 =	vor.u32 v3, v4  }
0xe9: {  	v4 =	vperm.xlane v3, v0;
	_ =	sdelay $0x1  }
0xea: {  	v4 =	vadd.s32 v1, v4;
	_ =	sdelay $0x3  }
0xeb: {  	s25 =	simm.s32 $0x4080  }
0xec: {  	[tilespmem:s25], [sflag:$0x1] =	stream.indirect_vreg.gather [hbm4b:s1+s23], $0x80, v4, vm0, $0xb8;
	[tilespmem:$0x11080] =	vst v63  }
0xed: {  	s26 =	simm.s32 $0x4880;
	v3 =	vperm.xlane v3, v2  }
0xee: {  	[tilespmem:s26], [sflag:$0x1] =	stream.indirect_vreg.gather [hbm4b:s5+s23], $0x80, v4, vm0, $0xb8;
	[tilespmem:$0x11080] =	vst v63  }
0xef: {  	s28 =	simm.s32 $0x5080;
	v3 =	vadd.s32 v1, v3  }
0xf0: {  	[tilespmem:s28], [sflag:$0x1] =	stream.indirect_vreg.gather [hbm4b:s6+s23], $0x80, v4, vm0, $0xb8;
	[tilespmem:$0x11080] =	vst v63  }
0xf1: {  	s9 =	simm.s32 $0x5880  }
0xf2: {  	[tilespmem:s9], [sflag:$0x1] =	stream.indirect_vreg.gather [hbm4b:s7+s23], $0x80, v4, vm0, $0xb8;
	[tilespmem:$0x11080] =	vst v63  }
0xf3: {  	s24 =	simm.s32 $0x6080  }
0xf4: {  	[tilespmem:s24], [sflag:$0x1] =	stream.indirect_vreg.gather [hbm4b:s1+s23], $0x80, v3, vm0, $0xb8;
	[tilespmem:$0x11080] =	vst v63  }
0xf5: {  	s25 =	simm.s32 $0x6880  }
0xf6: {  	[tilespmem:s25], [sflag:$0x1] =	stream.indirect_vreg.gather [hbm4b:s5+s23], $0x80, v3, vm0, $0xb8;
	[tilespmem:$0x11080] =	vst v63  }
0xf7: {  	s26 =	simm.s32 $0x7080  }
0xf8: {  	[tilespmem:s26], [sflag:$0x1] =	stream.indirect_vreg.gather [hbm4b:s6+s23], $0x80, v3, vm0, $0xb8;
	[tilespmem:$0x11080] =	vst v63  }
0xf9: {  	s28 =	simm.s32 $0x7880  }
0xfa: {  	[tilespmem:s28], [sflag:$0x1] =	stream.indirect_vreg.gather [hbm4b:s7+s23], $0x80, v3, vm0, $0xb8;
	[tilespmem:$0x11080] =	vst v63  }
0xfb: {  	s9 =	simm.s32 $0x0;
	_ =	swait.ge [sflag:s21], $0x8000  }
0xfc: {  	s8 =	sand.u32 $0x70, s23;
	s9 =	sand.u32 $0x3FFFFC00, s9;
	[sflag:s21] =	ssyncset.done $0x0  }
0xfd: {  	s25 =	sor.u32 s8, s9;
	[sflag:s21] =	ssyncadd.s32 $0xFFFF8000  }
0xfe: {  	v23 =	vld [tilespmem:s25+$0x8100]  }
0xff: {  	v24 =	vld [tilespmem:s25+$0x8080]  }
0x100: {  	v25 =	vld [tilespmem:s25+$0x8180]  }
0x101: {  	v26 =	vld [tilespmem:s25+$0x8200]  }
0x102: {  	v27 =	vld [tilespmem:s25+$0x8280]  }
0x103: {  	v28 =	vld [tilespmem:s25+$0x8300]  }
0x104: {  	v29 =	vld [tilespmem:s25+$0x8380]  }
0x105: {  	v30 =	vld [tilespmem:s25+$0x8400]  }
0x106: {  	v3 =	vld [tilespmem:s25+$0xA080]  }
0x107: {  	v5 =	vld [tilespmem:s25+$0xA100]  }
0x108: {  	v7 =	vld [tilespmem:s25+$0xA180]  }
0x109: {  	v10 =	vld [tilespmem:s25+$0xA200]  }
0x10a: {  	v9 =	vld [tilespmem:s25+$0xA280]  }
0x10b: {  	v13 =	vld [tilespmem:s25+$0xA300]  }
0x10c: {  	v14 =	vld [tilespmem:s25+$0xA380]  }
0x10d: {  	v17 =	vld [tilespmem:s25+$0xA400]  }
0x10e: {  	v4 =	vld [tilespmem:s25+$0xC080]  }
0x10f: {  	v6 =	vld [tilespmem:s25+$0xC100]  }
0x110: {  	v8 =	vld [tilespmem:s25+$0xC180]  }
0x111: {  	v11 =	vld [tilespmem:s25+$0xC200]  }
0x112: {  	v12 =	vld [tilespmem:s25+$0xC280]  }
0x113: {  	v15 =	vld [tilespmem:s25+$0xC300]  }
0x114: {  	v16 =	vld [tilespmem:s25+$0xC380]  }
0x115: {  	v18 =	vld [tilespmem:s25+$0xC400]  }
0x116: {  	v19 =	vld [tilespmem:s25+$0xE080]  }
0x117: {  	v20 =	vld [tilespmem:s25+$0xE100]  }
0x118: {  	v21 =	vld [tilespmem:s25+$0xE180]  }
0x119: {  	v22 =	vld [tilespmem:s25+$0xE200];
	v24 =	vadd.f32 v23, v24;
	v25 =	vadd.f32 v26, v25  }
0x11a: {  	s24 =	simm.s32 $0x1;
	s9 =	simm.s32 $0x0;
	v23 =	vld [tilespmem:s25+$0xE280];
	v26 =	vadd.f32 v28, v27;
	v27 =	vadd.f32 v30, v29  }
.LBB2_4:
0x11b: {  	p0 =	sne.s32 s24, $0x3F;
	v28 =	vld [tilespmem:s25+$0xE300];
	v3 =	vadd.f32 v5, v3;
	v5 =	vadd.f32 v10, v7  }
0x11c: {  	v9 =	vadd.f32 v13, v9;
	v10 =	vadd.f32 v17, v14;
	v7 =	vld [tilespmem:s25+$0xE380]  }
0x11d: {  	v14 =	vadd.f32 v25, v24;
	v17 =	vadd.f32 v27, v26;
	v13 =	vld [tilespmem:s25+$0xE400]  }
0x11e: {  	v3 =	vadd.f32 v5, v3;
	v5 =	vadd.f32 v10, v9  }
0x11f: {  	v4 =	vadd.f32 v6, v4;
	v6 =	vadd.f32 v11, v8  }
0x120: {  	v8 =	vadd.f32 v15, v12;
	v9 =	vadd.f32 v18, v16  }
0x121: {  	v10 =	vadd.f32 v20, v19;
	v11 =	vadd.f32 v22, v21  }
0x122: {  	v12 =	vadd.f32 v28, v23;
	v7 =	vadd.f32 v13, v7  }
0x123: {  	v4 =	vadd.f32 v6, v4;
	v6 =	vadd.f32 v9, v8  }
0x124: {  	v8 =	vadd.f32 v11, v10;
	v7 =	vadd.f32 v7, v12  }
0x125: {  	v9 =	vadd.f32 v17, v14;
	v3 =	vadd.f32 v5, v3  }
0x126: {  	v4 =	vadd.f32 v6, v4;
	v5 =	vadd.f32 v7, v8;
	_ =	sdelay $0x1  }
0x127: {  	v3 =	vadd.f32 v3, v9;
	v4 =	vadd.f32 v5, v4;
	_ =	sdelay $0x1  }
0x128: {  	v3 =	vadd.f32 v4, v3  }
0x129: {  	s25 =	sshll.u32 s23, $0x6;
	s23 =	smov.u32 s24  }
0x12a: {  	s26 =	sshll.u32 s24, $0x7;
	s9 =	sadd.s32 $0x10, s9;
	s25 =	sand.u32 $0x3FFFFE00, s25;
	v3 =	vmul.f32 $3.125000000e-02, v3  }
0x12b: {  	s26 =	sand.u32 $0x3FFFFC00, s26;
	s28 =	sor.u32 s8, s25;
	s8 =	sand.u32 $0x70, s9  }
0x12c: {  	s25 =	sor.u32 s8, s26;
	[tilespmem:s28+$0x10100] =	vst v3  }
0x12d: {  	v23 =	vld [tilespmem:s25+$0x8100]  }
0x12e: {  	v24 =	vld [tilespmem:s25+$0x8080]  }
0x12f: {  	v25 =	vld [tilespmem:s25+$0x8180]  }
0x130: {  	v26 =	vld [tilespmem:s25+$0x8200]  }
0x131: {  	v27 =	vld [tilespmem:s25+$0x8280]  }
0x132: {  	v28 =	vld [tilespmem:s25+$0x8300]  }
0x133: {  	v29 =	vld [tilespmem:s25+$0x8380]  }
0x134: {  	v30 =	vld [tilespmem:s25+$0x8400]  }
0x135: {  	v3 =	vld [tilespmem:s25+$0xA080]  }
0x136: {  	v5 =	vld [tilespmem:s25+$0xA100]  }
0x137: {  	v7 =	vld [tilespmem:s25+$0xA180]  }
0x138: {  	v10 =	vld [tilespmem:s25+$0xA200]  }
0x139: {  	v9 =	vld [tilespmem:s25+$0xA280]  }
0x13a: {  	v13 =	vld [tilespmem:s25+$0xA300]  }
0x13b: {  	v14 =	vld [tilespmem:s25+$0xA380]  }
0x13c: {  	v17 =	vld [tilespmem:s25+$0xA400]  }
0x13d: {  	v4 =	vld [tilespmem:s25+$0xC080]  }
0x13e: {  	v6 =	vld [tilespmem:s25+$0xC100]  }
0x13f: {  	v8 =	vld [tilespmem:s25+$0xC180]  }
0x140: {  	v11 =	vld [tilespmem:s25+$0xC200]  }
0x141: {  	v12 =	vld [tilespmem:s25+$0xC280]  }
0x142: {  	v15 =	vld [tilespmem:s25+$0xC300]  }
0x143: {  	v16 =	vld [tilespmem:s25+$0xC380]  }
0x144: {  	v18 =	vld [tilespmem:s25+$0xC400]  }
.Ltmp1:
0x145: {  	v19 =	vld [tilespmem:s25+$0xE080];
	(pc) =	sbr.rel @p0 .LBB2_4-.Ltmp1, $4  }
0x146: {  	v20 =	vld [tilespmem:s25+$0xE100]  }
0x147: {  	v21 =	vld [tilespmem:s25+$0xE180]  }
0x148: {  	v24 =	vadd.f32 v23, v24;
	v25 =	vadd.f32 v26, v25;
	v22 =	vld [tilespmem:s25+$0xE200]  }
0x149: {  	s24 =	sadd.s32 $0x1, s24;
	v26 =	vadd.f32 v28, v27;
	v27 =	vadd.f32 v30, v29;
	v23 =	vld [tilespmem:s25+$0xE280]  }
0x14a: {  	v28 =	vld [tilespmem:s25+$0xE300];
	v3 =	vadd.f32 v5, v3;
	v5 =	vadd.f32 v10, v7  }
0x14b: {  	v7 =	vld [tilespmem:s25+$0xE380];
	v9 =	vadd.f32 v13, v9;
	v10 =	vadd.f32 v17, v14  }
0x14c: {  	v13 =	vld [tilespmem:s25+$0xE400];
	v14 =	vadd.f32 v25, v24;
	v4 =	vadd.f32 v6, v4  }
0x14d: {  	v6 =	vadd.f32 v11, v8;
	v8 =	vadd.f32 v15, v12  }
0x14e: {  	v17 =	vadd.f32 v27, v26;
	v3 =	vadd.f32 v5, v3  }
0x14f: {  	v5 =	vadd.f32 v10, v9;
	v9 =	vadd.f32 v18, v16  }
0x150: {  	v10 =	vadd.f32 v20, v19;
	v11 =	vadd.f32 v22, v21  }
0x151: {  	v12 =	vadd.f32 v28, v23;
	v7 =	vadd.f32 v13, v7  }
0x152: {  	v4 =	vadd.f32 v6, v4;
	v6 =	vadd.f32 v9, v8  }
0x153: {  	v8 =	vadd.f32 v11, v10;
	v7 =	vadd.f32 v7, v12  }
0x154: {  	v9 =	vadd.f32 v17, v14;
	v3 =	vadd.f32 v5, v3  }
0x155: {  	v4 =	vadd.f32 v6, v4;
	v5 =	vadd.f32 v7, v8;
	_ =	sdelay $0x1  }
0x156: {  	v3 =	vadd.f32 v3, v9;
	v4 =	vadd.f32 v5, v4;
	_ =	sdelay $0x1  }
0x157: {  	v3 =	vadd.f32 v4, v3  }
0x158: {  	s9 =	sshll.u32 s23, $0x6  }
0x159: {  	s9 =	sand.u32 $0x3FFFFE00, s9;
	v3 =	vmul.f32 $3.125000000e-02, v3  }
0x15a: {  	s8 =	sor.u32 s8, s9  }
0x15b: {  	[tilespmem:s8+$0x10100] =	vst v3  }
0x15c: {  	v3 =	vld [tilespmem:$0x60];
	_ =	sdelay $0x4  }
0x15d: {  	v4 =	vshll.u32 v3, $0x3  }
0x15e: {  	v3 =	vand.u32 $0x7, v3;
	v4 =	vand.u32 $0xFFFFFFC0, v4  }
0x15f: {  	v3 =	vor.u32 v3, v4  }
0x160: {  	v4 =	vperm.xlane v3, v0;
	_ =	sdelay $0x1  }
0x161: {  	v4 =	vadd.s32 v1, v4;
	_ =	sdelay $0x3  }
0x162: {  	s23 =	simm.s32 $0x0;
	s26 =	simm.s32 $0x8080  }
0x163: {  	[tilespmem:s26], [sflag:$0x2] =	stream.indirect_vreg.gather [hbm4b:s1+s23], $0x80, v4, vm0, $0xb8;
	[tilespmem:$0x11080] =	vst v63  }
0x164: {  	v3 =	vperm.xlane v3, v2  }
0x165: {  	[tilespmem:s29], [sflag:$0x2] =	stream.indirect_vreg.gather [hbm4b:s5+s23], $0x80, v4, vm0, $0xb8;
	[tilespmem:$0x11080] =	vst v63  }
0x166: {  	v3 =	vadd.s32 v1, v3  }
0x167: {  	[tilespmem:s30], [sflag:$0x2] =	stream.indirect_vreg.gather [hbm4b:s6+s23], $0x80, v4, vm0, $0xb8;
	[tilespmem:$0x11080] =	vst v63  }
0x168: {  	_ = 	snop  }
0x169: {  	[tilespmem:s31], [sflag:$0x2] =	stream.indirect_vreg.gather [hbm4b:s7+s23], $0x80, v4, vm0, $0xb8;
	[tilespmem:$0x11080] =	vst v63  }
0x16a: {  	_ = 	snop  }
0x16b: {  	[tilespmem:s0], [sflag:$0x2] =	stream.indirect_vreg.gather [hbm4b:s1+s23], $0x80, v3, vm0, $0xb8;
	[tilespmem:$0x11080] =	vst v63  }
0x16c: {  	_ = 	snop  }
0x16d: {  	[tilespmem:s2], [sflag:$0x2] =	stream.indirect_vreg.gather [hbm4b:s5+s23], $0x80, v3, vm0, $0xb8;
	[tilespmem:$0x11080] =	vst v63  }
0x16e: {  	_ = 	snop  }
0x16f: {  	[tilespmem:s11], [sflag:$0x2] =	stream.indirect_vreg.gather [hbm4b:s6+s23], $0x80, v3, vm0, $0xb8;
	[tilespmem:$0x11080] =	vst v63  }
0x170: {  	_ = 	snop  }
0x171: {  	[tilespmem:s12], [sflag:$0x2] =	stream.indirect_vreg.gather [hbm4b:s7+s23], $0x80, v3, vm0, $0xb8;
	[tilespmem:$0x11080] =	vst v63  }
0x172: {  	v3 =	vld [tilespmem:$0x70];
	_ =	sdelay $0x4  }
0x173: {  	v4 =	vshll.u32 v3, $0x3  }
0x174: {  	v3 =	vand.u32 $0x7, v3;
	v4 =	vand.u32 $0xFFFFFFC0, v4  }
0x175: {  	v3 =	vor.u32 v3, v4  }
0x176: {  	v4 =	vperm.xlane v3, v0;
	_ =	sdelay $0x1  }
0x177: {  	v4 =	vadd.s32 v1, v4;
	_ =	sdelay $0x4  }
0x178: {  	[tilespmem:s13], [sflag:$0x2] =	stream.indirect_vreg.gather [hbm4b:s1+s23], $0x80, v4, vm0, $0xb8;
	[tilespmem:$0x11080] =	vst v63  }
0x179: {  	v3 =	vperm.xlane v3, v2  }
0x17a: {  	[tilespmem:s14], [sflag:$0x2] =	stream.indirect_vreg.gather [hbm4b:s5+s23], $0x80, v4, vm0, $0xb8;
	[tilespmem:$0x11080] =	vst v63  }
0x17b: {  	v3 =	vadd.s32 v1, v3  }
0x17c: {  	[tilespmem:s15], [sflag:$0x2] =	stream.indirect_vreg.gather [hbm4b:s6+s23], $0x80, v4, vm0, $0xb8;
	[tilespmem:$0x11080] =	vst v63  }
0x17d: {  	_ = 	snop  }
0x17e: {  	[tilespmem:s16], [sflag:$0x2] =	stream.indirect_vreg.gather [hbm4b:s7+s23], $0x80, v4, vm0, $0xb8;
	[tilespmem:$0x11080] =	vst v63  }
0x17f: {  	_ = 	snop  }
0x180: {  	[tilespmem:s17], [sflag:$0x2] =	stream.indirect_vreg.gather [hbm4b:s1+s23], $0x80, v3, vm0, $0xb8;
	[tilespmem:$0x11080] =	vst v63  }
0x181: {  	_ = 	snop  }
0x182: {  	[tilespmem:s4], [sflag:$0x2] =	stream.indirect_vreg.gather [hbm4b:s5+s23], $0x80, v3, vm0, $0xb8;
	[tilespmem:$0x11080] =	vst v63  }
0x183: {  	_ = 	snop  }
0x184: {  	[tilespmem:s18], [sflag:$0x2] =	stream.indirect_vreg.gather [hbm4b:s6+s23], $0x80, v3, vm0, $0xb8;
	[tilespmem:$0x11080] =	vst v63  }
0x185: {  	_ = 	snop  }
0x186: {  	[tilespmem:s19], [sflag:$0x2] =	stream.indirect_vreg.gather [hbm4b:s7+s23], $0x80, v3, vm0, $0xb8;
	[tilespmem:$0x11080] =	vst v63  }
0x187: {  	s28 =	simm.s32 $0x0;
	_ =	swait.ge [sflag:s20], $0x8000  }
0x188: {  	s9 =	sand.u32 $0x3FFFFC00, s28;
	s8 =	sand.u32 $0x70, s23;
	[sflag:s20] =	ssyncset.done $0x0  }
0x189: {  	s25 =	sor.u32 s8, s9;
	[sflag:s20] =	ssyncadd.s32 $0xFFFF8000  }
0x18a: {  	v23 =	vld [tilespmem:s25+$0x100]  }
0x18b: {  	v24 =	vld [tilespmem:s25+$0x80]  }
0x18c: {  	v25 =	vld [tilespmem:s25+$0x180]  }
0x18d: {  	v26 =	vld [tilespmem:s25+$0x200]  }
0x18e: {  	v27 =	vld [tilespmem:s25+$0x280]  }
0x18f: {  	v28 =	vld [tilespmem:s25+$0x300]  }
0x190: {  	v29 =	vld [tilespmem:s25+$0x380]  }
0x191: {  	v30 =	vld [tilespmem:s25+$0x400]  }
0x192: {  	v3 =	vld [tilespmem:s25+$0x2080]  }
0x193: {  	v5 =	vld [tilespmem:s25+$0x2100]  }
0x194: {  	v7 =	vld [tilespmem:s25+$0x2180]  }
0x195: {  	v10 =	vld [tilespmem:s25+$0x2200]  }
0x196: {  	v9 =	vld [tilespmem:s25+$0x2280]  }
0x197: {  	v13 =	vld [tilespmem:s25+$0x2300]  }
0x198: {  	v14 =	vld [tilespmem:s25+$0x2380]  }
0x199: {  	v17 =	vld [tilespmem:s25+$0x2400]  }
0x19a: {  	v4 =	vld [tilespmem:s25+$0x4080]  }
0x19b: {  	v6 =	vld [tilespmem:s25+$0x4100]  }
0x19c: {  	v8 =	vld [tilespmem:s25+$0x4180]  }
0x19d: {  	v11 =	vld [tilespmem:s25+$0x4200]  }
0x19e: {  	v12 =	vld [tilespmem:s25+$0x4280]  }
0x19f: {  	v15 =	vld [tilespmem:s25+$0x4300]  }
0x1a0: {  	v16 =	vld [tilespmem:s25+$0x4380]  }
0x1a1: {  	v18 =	vld [tilespmem:s25+$0x4400]  }
0x1a2: {  	v19 =	vld [tilespmem:s25+$0x6080]  }
0x1a3: {  	v20 =	vld [tilespmem:s25+$0x6100]  }
0x1a4: {  	v21 =	vld [tilespmem:s25+$0x6180]  }
0x1a5: {  	v22 =	vld [tilespmem:s25+$0x6200];
	v24 =	vadd.f32 v23, v24;
	v25 =	vadd.f32 v26, v25  }
0x1a6: {  	s24 =	simm.s32 $0x1;
	s9 =	simm.s32 $0x0;
	v23 =	vld [tilespmem:s25+$0x6280];
	v26 =	vadd.f32 v28, v27;
	v27 =	vadd.f32 v30, v29  }
.LBB2_6:
0x1a7: {  	p0 =	sne.s32 s24, $0x3F;
	v28 =	vld [tilespmem:s25+$0x6300];
	v3 =	vadd.f32 v5, v3;
	v5 =	vadd.f32 v10, v7  }
0x1a8: {  	v9 =	vadd.f32 v13, v9;
	v10 =	vadd.f32 v17, v14;
	v7 =	vld [tilespmem:s25+$0x6380]  }
0x1a9: {  	v14 =	vadd.f32 v25, v24;
	v17 =	vadd.f32 v27, v26;
	v13 =	vld [tilespmem:s25+$0x6400]  }
0x1aa: {  	v3 =	vadd.f32 v5, v3;
	v5 =	vadd.f32 v10, v9  }
0x1ab: {  	v4 =	vadd.f32 v6, v4;
	v6 =	vadd.f32 v11, v8  }
0x1ac: {  	v8 =	vadd.f32 v15, v12;
	v9 =	vadd.f32 v18, v16  }
0x1ad: {  	v10 =	vadd.f32 v20, v19;
	v11 =	vadd.f32 v22, v21  }
0x1ae: {  	v12 =	vadd.f32 v28, v23;
	v7 =	vadd.f32 v13, v7  }
0x1af: {  	v4 =	vadd.f32 v6, v4;
	v6 =	vadd.f32 v9, v8  }
0x1b0: {  	v8 =	vadd.f32 v11, v10;
	v7 =	vadd.f32 v7, v12  }
0x1b1: {  	v9 =	vadd.f32 v17, v14;
	v3 =	vadd.f32 v5, v3  }
0x1b2: {  	v4 =	vadd.f32 v6, v4;
	v5 =	vadd.f32 v7, v8;
	_ =	sdelay $0x1  }
0x1b3: {  	v3 =	vadd.f32 v3, v9;
	v4 =	vadd.f32 v5, v4;
	_ =	sdelay $0x1  }
0x1b4: {  	v3 =	vadd.f32 v4, v3  }
0x1b5: {  	s25 =	sshll.u32 s23, $0x6;
	s23 =	smov.u32 s24  }
0x1b6: {  	s26 =	sshll.u32 s24, $0x7;
	s9 =	sadd.s32 $0x10, s9;
	s25 =	sand.u32 $0x3FFFFE00, s25;
	v3 =	vmul.f32 $3.125000000e-02, v3  }
0x1b7: {  	s26 =	sand.u32 $0x3FFFFC00, s26;
	s28 =	sor.u32 s8, s25;
	s8 =	sand.u32 $0x70, s9  }
0x1b8: {  	s25 =	sor.u32 s8, s26;
	[tilespmem:s28+$0x10180] =	vst v3  }
0x1b9: {  	v23 =	vld [tilespmem:s25+$0x100]  }
0x1ba: {  	v24 =	vld [tilespmem:s25+$0x80]  }
0x1bb: {  	v25 =	vld [tilespmem:s25+$0x180]  }
0x1bc: {  	v26 =	vld [tilespmem:s25+$0x200]  }
0x1bd: {  	v27 =	vld [tilespmem:s25+$0x280]  }
0x1be: {  	v28 =	vld [tilespmem:s25+$0x300]  }
0x1bf: {  	v29 =	vld [tilespmem:s25+$0x380]  }
0x1c0: {  	v30 =	vld [tilespmem:s25+$0x400]  }
0x1c1: {  	v3 =	vld [tilespmem:s25+$0x2080]  }
0x1c2: {  	v5 =	vld [tilespmem:s25+$0x2100]  }
0x1c3: {  	v7 =	vld [tilespmem:s25+$0x2180]  }
0x1c4: {  	v10 =	vld [tilespmem:s25+$0x2200]  }
0x1c5: {  	v9 =	vld [tilespmem:s25+$0x2280]  }
0x1c6: {  	v13 =	vld [tilespmem:s25+$0x2300]  }
0x1c7: {  	v14 =	vld [tilespmem:s25+$0x2380]  }
0x1c8: {  	v17 =	vld [tilespmem:s25+$0x2400]  }
0x1c9: {  	v4 =	vld [tilespmem:s25+$0x4080]  }
0x1ca: {  	v6 =	vld [tilespmem:s25+$0x4100]  }
0x1cb: {  	v8 =	vld [tilespmem:s25+$0x4180]  }
0x1cc: {  	v11 =	vld [tilespmem:s25+$0x4200]  }
0x1cd: {  	v12 =	vld [tilespmem:s25+$0x4280]  }
0x1ce: {  	v15 =	vld [tilespmem:s25+$0x4300]  }
0x1cf: {  	v16 =	vld [tilespmem:s25+$0x4380]  }
0x1d0: {  	v18 =	vld [tilespmem:s25+$0x4400]  }
.Ltmp2:
0x1d1: {  	v19 =	vld [tilespmem:s25+$0x6080];
	(pc) =	sbr.rel @p0 .LBB2_6-.Ltmp2, $4  }
0x1d2: {  	v20 =	vld [tilespmem:s25+$0x6100]  }
0x1d3: {  	v21 =	vld [tilespmem:s25+$0x6180]  }
0x1d4: {  	v24 =	vadd.f32 v23, v24;
	v25 =	vadd.f32 v26, v25;
	v22 =	vld [tilespmem:s25+$0x6200]  }
0x1d5: {  	s24 =	sadd.s32 $0x1, s24;
	v26 =	vadd.f32 v28, v27;
	v27 =	vadd.f32 v30, v29;
	v23 =	vld [tilespmem:s25+$0x6280]  }
0x1d6: {  	v28 =	vld [tilespmem:s25+$0x6300];
	v3 =	vadd.f32 v5, v3;
	v5 =	vadd.f32 v10, v7  }
0x1d7: {  	v7 =	vld [tilespmem:s25+$0x6380];
	v9 =	vadd.f32 v13, v9;
	v10 =	vadd.f32 v17, v14  }
0x1d8: {  	v13 =	vld [tilespmem:s25+$0x6400];
	v14 =	vadd.f32 v25, v24;
	v4 =	vadd.f32 v6, v4  }
0x1d9: {  	v6 =	vadd.f32 v11, v8;
	v8 =	vadd.f32 v15, v12  }
0x1da: {  	v17 =	vadd.f32 v27, v26;
	v3 =	vadd.f32 v5, v3  }
0x1db: {  	v5 =	vadd.f32 v10, v9;
	v9 =	vadd.f32 v18, v16  }
0x1dc: {  	v10 =	vadd.f32 v20, v19;
	v11 =	vadd.f32 v22, v21  }
0x1dd: {  	v12 =	vadd.f32 v28, v23;
	v7 =	vadd.f32 v13, v7  }
0x1de: {  	v4 =	vadd.f32 v6, v4;
	v6 =	vadd.f32 v9, v8  }
0x1df: {  	v8 =	vadd.f32 v11, v10;
	v7 =	vadd.f32 v7, v12  }
0x1e0: {  	v9 =	vadd.f32 v17, v14;
	v3 =	vadd.f32 v5, v3  }
0x1e1: {  	v4 =	vadd.f32 v6, v4;
	v5 =	vadd.f32 v7, v8;
	_ =	sdelay $0x1  }
0x1e2: {  	v3 =	vadd.f32 v3, v9;
	v4 =	vadd.f32 v5, v4;
	_ =	sdelay $0x1  }
0x1e3: {  	v3 =	vadd.f32 v4, v3  }
0x1e4: {  	s9 =	sshll.u32 s23, $0x6  }
0x1e5: {  	s9 =	sand.u32 $0x3FFFFE00, s9;
	v3 =	vmul.f32 $3.125000000e-02, v3  }
0x1e6: {  	s8 =	sor.u32 s8, s9  }
0x1e7: {  	[tilespmem:s8+$0x10180] =	vst v3  }
0x1e8: {  	s23 =	simm.s32 $0x0;
	s28 =	simm.s32 $0x0;
	_ =	swait.ge [sflag:s21], $0x8000  }
0x1e9: {  	s9 =	sand.u32 $0x3FFFFC00, s28;
	s8 =	sand.u32 $0x70, s23;
	[sflag:s21] =	ssyncset.done $0x0  }
0x1ea: {  	s25 =	sor.u32 s8, s9;
	[sflag:s21] =	ssyncadd.s32 $0xFFFF8000  }
0x1eb: {  	v23 =	vld [tilespmem:s25+$0x8100]  }
0x1ec: {  	v24 =	vld [tilespmem:s25+$0x8080]  }
0x1ed: {  	v25 =	vld [tilespmem:s25+$0x8180]  }
0x1ee: {  	v26 =	vld [tilespmem:s25+$0x8200]  }
0x1ef: {  	v27 =	vld [tilespmem:s25+$0x8280]  }
0x1f0: {  	v28 =	vld [tilespmem:s25+$0x8300]  }
0x1f1: {  	v29 =	vld [tilespmem:s25+$0x8380]  }
0x1f2: {  	v30 =	vld [tilespmem:s25+$0x8400]  }
0x1f3: {  	v3 =	vld [tilespmem:s25+$0xA080]  }
0x1f4: {  	v5 =	vld [tilespmem:s25+$0xA100]  }
0x1f5: {  	v7 =	vld [tilespmem:s25+$0xA180]  }
0x1f6: {  	v10 =	vld [tilespmem:s25+$0xA200]  }
0x1f7: {  	v9 =	vld [tilespmem:s25+$0xA280]  }
0x1f8: {  	v13 =	vld [tilespmem:s25+$0xA300]  }
0x1f9: {  	v14 =	vld [tilespmem:s25+$0xA380]  }
0x1fa: {  	v17 =	vld [tilespmem:s25+$0xA400]  }
0x1fb: {  	v4 =	vld [tilespmem:s25+$0xC080]  }
0x1fc: {  	v6 =	vld [tilespmem:s25+$0xC100]  }
0x1fd: {  	v8 =	vld [tilespmem:s25+$0xC180]  }
0x1fe: {  	v11 =	vld [tilespmem:s25+$0xC200]  }
0x1ff: {  	v12 =	vld [tilespmem:s25+$0xC280]  }
0x200: {  	v15 =	vld [tilespmem:s25+$0xC300]  }
0x201: {  	v16 =	vld [tilespmem:s25+$0xC380]  }
0x202: {  	v18 =	vld [tilespmem:s25+$0xC400]  }
0x203: {  	v19 =	vld [tilespmem:s25+$0xE080]  }
0x204: {  	v20 =	vld [tilespmem:s25+$0xE100]  }
0x205: {  	v21 =	vld [tilespmem:s25+$0xE180]  }
0x206: {  	v22 =	vld [tilespmem:s25+$0xE200];
	v24 =	vadd.f32 v23, v24;
	v25 =	vadd.f32 v26, v25  }
0x207: {  	s24 =	simm.s32 $0x1;
	s9 =	simm.s32 $0x0;
	v23 =	vld [tilespmem:s25+$0xE280];
	v26 =	vadd.f32 v28, v27;
	v27 =	vadd.f32 v30, v29  }
.LBB2_8:
0x208: {  	p0 =	sne.s32 s24, $0x3F;
	v28 =	vld [tilespmem:s25+$0xE300];
	v3 =	vadd.f32 v5, v3;
	v5 =	vadd.f32 v10, v7  }
0x209: {  	v9 =	vadd.f32 v13, v9;
	v10 =	vadd.f32 v17, v14;
	v7 =	vld [tilespmem:s25+$0xE380]  }
0x20a: {  	v14 =	vadd.f32 v25, v24;
	v17 =	vadd.f32 v27, v26;
	v13 =	vld [tilespmem:s25+$0xE400]  }
0x20b: {  	v3 =	vadd.f32 v5, v3;
	v5 =	vadd.f32 v10, v9  }
0x20c: {  	v4 =	vadd.f32 v6, v4;
	v6 =	vadd.f32 v11, v8  }
0x20d: {  	v8 =	vadd.f32 v15, v12;
	v9 =	vadd.f32 v18, v16  }
0x20e: {  	v10 =	vadd.f32 v20, v19;
	v11 =	vadd.f32 v22, v21  }
0x20f: {  	v12 =	vadd.f32 v28, v23;
	v7 =	vadd.f32 v13, v7  }
0x210: {  	v4 =	vadd.f32 v6, v4;
	v6 =	vadd.f32 v9, v8  }
0x211: {  	v8 =	vadd.f32 v11, v10;
	v7 =	vadd.f32 v7, v12  }
0x212: {  	v9 =	vadd.f32 v17, v14;
	v3 =	vadd.f32 v5, v3  }
0x213: {  	v4 =	vadd.f32 v6, v4;
	v5 =	vadd.f32 v7, v8;
	_ =	sdelay $0x1  }
0x214: {  	v3 =	vadd.f32 v3, v9;
	v4 =	vadd.f32 v5, v4;
	_ =	sdelay $0x1  }
0x215: {  	v3 =	vadd.f32 v4, v3  }
0x216: {  	s25 =	sshll.u32 s23, $0x6;
	s23 =	smov.u32 s24  }
0x217: {  	s26 =	sshll.u32 s24, $0x7;
	s9 =	sadd.s32 $0x10, s9;
	s25 =	sand.u32 $0x3FFFFE00, s25;
	v3 =	vmul.f32 $3.125000000e-02, v3  }
0x218: {  	s26 =	sand.u32 $0x3FFFFC00, s26;
	s28 =	sor.u32 s8, s25;
	s8 =	sand.u32 $0x70, s9  }
0x219: {  	s25 =	sor.u32 s8, s26;
	[tilespmem:s28+$0x10200] =	vst v3  }
0x21a: {  	v23 =	vld [tilespmem:s25+$0x8100]  }
0x21b: {  	v24 =	vld [tilespmem:s25+$0x8080]  }
0x21c: {  	v25 =	vld [tilespmem:s25+$0x8180]  }
0x21d: {  	v26 =	vld [tilespmem:s25+$0x8200]  }
0x21e: {  	v27 =	vld [tilespmem:s25+$0x8280]  }
0x21f: {  	v28 =	vld [tilespmem:s25+$0x8300]  }
0x220: {  	v29 =	vld [tilespmem:s25+$0x8380]  }
0x221: {  	v30 =	vld [tilespmem:s25+$0x8400]  }
0x222: {  	v3 =	vld [tilespmem:s25+$0xA080]  }
0x223: {  	v5 =	vld [tilespmem:s25+$0xA100]  }
0x224: {  	v7 =	vld [tilespmem:s25+$0xA180]  }
0x225: {  	v10 =	vld [tilespmem:s25+$0xA200]  }
0x226: {  	v9 =	vld [tilespmem:s25+$0xA280]  }
0x227: {  	v13 =	vld [tilespmem:s25+$0xA300]  }
0x228: {  	v14 =	vld [tilespmem:s25+$0xA380]  }
0x229: {  	v17 =	vld [tilespmem:s25+$0xA400]  }
0x22a: {  	v4 =	vld [tilespmem:s25+$0xC080]  }
0x22b: {  	v6 =	vld [tilespmem:s25+$0xC100]  }
0x22c: {  	v8 =	vld [tilespmem:s25+$0xC180]  }
0x22d: {  	v11 =	vld [tilespmem:s25+$0xC200]  }
0x22e: {  	v12 =	vld [tilespmem:s25+$0xC280]  }
0x22f: {  	v15 =	vld [tilespmem:s25+$0xC300]  }
0x230: {  	v16 =	vld [tilespmem:s25+$0xC380]  }
0x231: {  	v18 =	vld [tilespmem:s25+$0xC400]  }
.Ltmp3:
0x232: {  	v19 =	vld [tilespmem:s25+$0xE080];
	(pc) =	sbr.rel @p0 .LBB2_8-.Ltmp3, $4  }
0x233: {  	v20 =	vld [tilespmem:s25+$0xE100]  }
0x234: {  	v21 =	vld [tilespmem:s25+$0xE180]  }
0x235: {  	v24 =	vadd.f32 v23, v24;
	v25 =	vadd.f32 v26, v25;
	v22 =	vld [tilespmem:s25+$0xE200]  }
0x236: {  	s24 =	sadd.s32 $0x1, s24;
	v26 =	vadd.f32 v28, v27;
	v27 =	vadd.f32 v30, v29;
	v23 =	vld [tilespmem:s25+$0xE280]  }
0x237: {  	v28 =	vld [tilespmem:s25+$0xE300];
	v3 =	vadd.f32 v5, v3;
	v47 =	vadd.f32 v10, v7  }
0x238: {  	v48 =	vld [tilespmem:s25+$0xE380];
	v9 =	vadd.f32 v13, v9;
	v49 =	vadd.f32 v17, v14  }
0x239: {  	v50 =	vld [tilespmem:s25+$0xE400];
	v51 =	vadd.f32 v25, v24;
	v4 =	vadd.f32 v6, v4  }
0x23a: {  	v54 =	vadd.f32 v11, v8;
	v55 =	vadd.f32 v15, v12  }
0x23b: {  	v56 =	vadd.f32 v18, v16;
	v52 =	vadd.f32 v27, v26  }
0x23c: {  	v57 =	vadd.f32 v20, v19;
	v3 =	vadd.f32 v47, v3  }
0x23d: {  	v53 =	vadd.f32 v49, v9;
	v58 =	vadd.f32 v22, v21  }
0x23e: {  	v59 =	vadd.f32 v28, v23;
	v7 =	vadd.f32 v50, v48  }
0x23f: {  	v4 =	vadd.f32 v54, v4;
	v60 =	vadd.f32 v56, v55  }
0x240: {  	v61 =	vadd.f32 v58, v57;
	v7 =	vadd.f32 v7, v59  }
0x241: {  	v62 =	vadd.f32 v52, v51;
	v3 =	vadd.f32 v53, v3  }
0x242: {  	v4 =	vadd.f32 v60, v4;
	v63 =	vadd.f32 v7, v61;
	_ =	sdelay $0x1  }
0x243: {  	v3 =	vadd.f32 v3, v62;
	v4 =	vadd.f32 v63, v4;
	_ =	sdelay $0x1  }
0x244: {  	v3 =	vadd.f32 v4, v3  }
0x245: {  	s9 =	sshll.u32 s23, $0x6  }
0x246: {  	s9 =	sand.u32 $0x3FFFFE00, s9;
	v3 =	vmul.f32 $3.125000000e-02, v3  }
0x247: {  	s23 =	rddreg [dreg:$0x5];
	s8 =	sor.u32 s8, s9  }
0x248: {  	s25 =	simm.s32 $0x200;
	s26 =	simm.s32 $0x400;
	s24 =	simm.s32 $0x10080;
	[tilespmem:s8+$0x10200] =	vst v3  }
0x249: {  	[hbm4b:s23+s25] =	stream.strided.scatter [tilespmem:s24], [sflag:$0x3], $0x1000, s26, s25, $0x38;
	[tilespmem:$0x11080] =	vst v63  }
0x24a: {  	_ =	swait.ge [sflag:s10], $0x1000  }
0x24b: {  	s22 =	sadd.s32 $0x1, s22;
	s28 =	rddreg [dreg:$0x6]  }
0x24c: {  	p0 =	sne.s32 s22, s28  }
.Ltmp4:
0x24d: {  	_ = 	snop;
	(pc) =	sbr.rel @p0 .LBB2_1-.Ltmp4, $3  }
0x24e: {  	_ =	sdelay $0x1  }
0x24f: {  	[sflag:s10] =	ssyncset.done $0x0  }
0x250: {  	[sflag:s10] =	ssyncadd.s32 $0xFFFFF000  }
0x251: {  	_ =	sfence.sel $0x180000  }
0x252: {  	[bflag:$0x0] =	sbarrier.arrive $0xFFFF  }
0x253: {  	_ =	strace $0x90000047  }
0x254: {  	s0 =	stileid.u32;
	[bflag:$0x2] =	sbarrier.arrive $0xFFFF  }
0x255: {  	p0 =	sne.s32 s0, $0x0;
	s0 =	rddreg [dreg:$0x3]  }
0x256: {  	s0 =	sadd.s32 @!p0 $0x100000, s0  }
0x257: {  	[sflag:s0] =	ssyncadd.tile.s32 @!p0 $0x1;
	_ =	shalt  }
.Lfunc_end2:
_tile_overlayer_lowered:
.L_overlay_start_2:
0x258: {  	(tag) =	ssettag $0x2  }
0x259: {  	s0 =	rddreg [dreg:$0x0];
	s2 =	stileid.u32  }
0x25a: {  	s1 =	rddreg [dreg:$0x1];
	p0 =	sne.s32 s2, $0x0  }
0x25b: {  	s3 =	rddreg [dreg:$0x2];
	[bflag:$0x3] =	sbarrier.arrive $0xFFFF;
	s2 =	simm.s32 @!p0 $0x1C03  }
0x25c: {  	[timem:s3], [sflag:s2] =	dma.local @!p0 [hbm:s0], s1  }
0x25d: {  	s0 =	simm.s32 @!p0 $0x3  }
0x25e: {  	_ =	swait.ge @!p0 [sflag:s0], s1  }
0x25f: {  	s1 =	ssub.s32 @!p0 $0x0, s1;
	[sflag:s0] =	ssyncset.done @!p0 $0x0  }
0x260: {  	[sflag:s0] =	ssyncadd.s32 @!p0 s1  }
0x261: {  	[bflag:$0x3] =	sbarrier.arrive $0xFFFF  }
0x262: {  	_ =	shalt  }

</sc_bundles>
